<compile_context>
chip_gen: v7x
topology: tpu7x:2x2x1
jax: 0.10.2.dev20260603
libtpu: 0.0.44.dev20260713+nightly
codegen_flags: <defaults>
</compile_context>

<pallas_src>
import jax
import jax.numpy as jnp
from jax import lax
from jax.experimental import pallas as pl
from jax.experimental.pallas import tpu as pltpu
from jax.experimental.pallas import tpu_sc as plsc

B = 4096
C = 1000
CP = 1024
NT = CP // 128
BETA = 0.7
LMBDA = 0.5
EPS = 1e-4

NC = 2
NW = 32
RW = B // NW
KG = 64


def _sc_gather_body(idx_hbm, tgt_hbm, out_hbm, idx_v, d_v, sem):
    wid = lax.axis_index("s") * NC + lax.axis_index("c")
    base = wid * RW
    pltpu.sync_copy(idx_hbm.at[pl.ds(base, RW)], idx_v)

    def chunk(ci, carry):
        idx_c = idx_v.at[pl.ds(ci * KG, KG)]
        cps = []
        for t in range(NT):
            off = pl.multiple_of(jnp.full((), t * 128, jnp.int32), 128)
            cps.append(pltpu.async_copy(
                tgt_hbm.at[idx_c, pl.ds(off, 128)],
                d_v.at[:, pl.ds(t * 128, 128)], sem))
        for cp in cps:
            cp.wait()
        pltpu.sync_copy(d_v, out_hbm.at[pl.ds(base + ci * KG, KG)])
        return carry

    lax.fori_loop(0, RW // KG, chunk, 0)


def _gather_stage(index, target):
    mesh = plsc.VectorSubcoreMesh(core_axis_name="c", subcore_axis_name="s")
    f = pl.kernel(
        _sc_gather_body,
        out_type=jax.ShapeDtypeStruct((B, CP), jnp.float32),
        mesh=mesh,
        scratch_types=[
            pltpu.VMEM((RW,), jnp.int32),
            pltpu.VMEM((KG, CP), jnp.float32),
            pltpu.SemaphoreType.DMA,
        ],
        compiler_params=pltpu.CompilerParams(use_tc_tiling_on_sc=True,
                                             needs_layout_passes=False),
    )
    return f(index.astype(jnp.int32), target)


def _fused_body(x_ref, lab_ref, t_ref, out_ref):
    i = pl.program_id(0)
    x = x_ref[...]
    t = t_ref[...]
    lab = lab_ref[0, 0, :]
    m = jnp.max(x, axis=1, keepdims=True)
    e = jnp.exp(x - m)
    z = jnp.sum(e, axis=1, keepdims=True)
    lse = m[:, 0] + jnp.log(z[:, 0])
    p = jnp.clip(e / z, EPS, 1.0 - EPS)
    s = jnp.sum(p, axis=1)
    q = jnp.sum(p * p, axis=1) / s
    g = jnp.sum(t[:, :C] * p, axis=1)
    cols = lax.broadcasted_iota(jnp.int32, x.shape, 1)
    xlab = jnp.sum(jnp.where(cols == lab[:, None], x, 0.0), axis=1)
    ce = lse - xlab
    elr = jnp.log(1.0 - (BETA * g + (1.0 - BETA) * q))
    part = (jnp.sum(ce) + LMBDA * jnp.sum(elr)) * (1.0 / B)

    @pl.when(i == 0)
    def _():
        out_ref[0, 0] = part

    @pl.when(i != 0)
    def _():
        out_ref[0, 0] += part


def _fused_stage(output, label, t_gath):
    nb = 8
    r = B // nb
    lab3 = label.astype(jnp.int32).reshape(nb, 1, r)
    out = pl.pallas_call(
        _fused_body,
        grid=(nb,),
        in_specs=[
            pl.BlockSpec((r, C), lambda i: (i, 0)),
            pl.BlockSpec((1, 1, r), lambda i: (i, 0, 0)),
            pl.BlockSpec((r, CP), lambda i: (i, 0)),
        ],
        out_specs=pl.BlockSpec(memory_space=pltpu.SMEM),
        out_shape=jax.ShapeDtypeStruct((1, 1), jnp.float32),
    )(output, lab3, t_gath)
    return out[0, 0]


def kernel(output, label, index, target):
    t_gath = _gather_stage(index, target)
    return _fused_stage(output, label, t_gath)

# --- scband reference (transcript-rebuilt; emitter-appended) ---
"""Pipeline reference for scband-elr-84353157693511 (READ-ONLY COPY).

The authoritative reference and input builder live on the scoring server;
editing this copy changes nothing except your own understanding.
"""

import jax, jax.numpy as jnp
import numpy as np

NUM_EXAMP = 100000
NUM_CLASSES = 1000
BATCH = 4096
BETA = 0.7
LMBDA = 0.5

def setup_inputs(seed: int = 0) -> dict:
    key = jax.random.key(seed)
    k1, k2, k3 = jax.random.split(key, 3)
    output = jax.random.normal(k1, (BATCH, NUM_CLASSES), dtype=jnp.float32)
    label = jax.random.randint(k2, (BATCH,), 0, NUM_CLASSES)
    index = jax.random.randint(k3, (BATCH,), 0, NUM_EXAMP)
    # persistent target buffer (module state), initialized to zeros as in __init__
    target = jnp.zeros((NUM_EXAMP, NUM_CLASSES), dtype=jnp.float32)
    return {"output": output, "label": label, "index": index, "target": target}

def reference(output, label, index, target):
    # y_pred = softmax(output), clamped
    y_pred = jax.nn.softmax(output, axis=1)
    y_pred = jnp.clip(y_pred, 0.0001, 1.0 - 0.0001)
    # detached copy for temporal ensembling target update
    y_pred_ = jax.lax.stop_gradient(y_pred)
    t_old = jnp.take(target, index, axis=0)
    t_new = BETA * t_old + (1.0 - BETA) * (y_pred_ / jnp.sum(y_pred_, axis=1, keepdims=True))
    # cross entropy with integer labels (mean reduction, matches F.cross_entropy)
    logp = jax.nn.log_softmax(output, axis=1)
    ce_loss = -jnp.mean(jnp.take_along_axis(logp, label[:, None], axis=1))
    # ELR regularizer uses the freshly-updated target rows (self.target[index] after scatter)
    elr_reg = jnp.mean(jnp.log(1.0 - jnp.sum(t_new * y_pred, axis=1)))
    final_loss = ce_loss + LMBDA * elr_reg
    return final_loss

if __name__ == "__main__":
    import jax
    _d = setup_inputs()
    print(jax.jit(kernel)(*tuple(_d.values())))

</pallas_src>

<mosaic_0001>
#map = affine_map<(d0, d1) -> (0)>
#map1 = affine_map<(d0, d1) -> (0, 0)>
module attributes {stable_mosaic.version = 14 : i64} {
  func.func @_sc_gather_body(%arg0: i32, %arg1: i32, %arg2: memref<4096xi32, #tpu.memory_space<hbm>>, %arg3: memref<100000x1000xf32, #tpu.memory_space<hbm>>, %arg4: memref<4096x1024xf32, #tpu.memory_space<hbm>>, %arg5: memref<128xi32, #tpu.memory_space<vmem>>, %arg6: memref<64x1024xf32, #tpu.memory_space<vmem>>, %arg7: memref<!tpu.dma_semaphore, #tpu.memory_space<semaphore_mem>>) attributes {dimension_semantics = [#tpu.dimension_semantics<core_parallel>, #tpu.dimension_semantics<subcore_parallel>], iteration_bounds = array<i64: 2, 16>, scalar_prefetch = 0 : i64, scratch_operands = 3 : i64, tpu.core_type = #tpu.core_type<sc_vector_subcore>, window_params = [{transform_indices = #map}, {transform_indices = #map1}, {transform_indices = #map1}]} {
    %mul3A = arith.constant 2 : i32
    %mul3A_0 = arith.muli %arg1, %mul3A : i32
    %add3A = arith.addi %mul3A_0, %arg0 : i32
    %mul3A_1 = arith.constant 128 : i32
    %mul3A_2 = arith.muli %add3A, %mul3A_1 : i32
    "tpu.region"() ({
      %run_scoped3A = tpu.sem_alloc : memref<!tpu.dma_semaphore, #tpu.memory_space<semaphore_mem>>
      %dma_start3A = tpu.memref_slice %arg2[%mul3A_2] : memref<4096xi32, #tpu.memory_space<hbm>> -> memref<128xi32, #tpu.memory_space<hbm>>
      %dma_start3A_8 = tpu.memref_slice %arg2[%mul3A_2] : memref<4096xi32, #tpu.memory_space<hbm>> -> memref<128xi32, #tpu.memory_space<hbm>>
      tpu.enqueue_dma source(%dma_start3A_8 : memref<128xi32, #tpu.memory_space<hbm>>) target(%arg5 : memref<128xi32, #tpu.memory_space<vmem>>) target_semaphore(%run_scoped3A : memref<!tpu.dma_semaphore, #tpu.memory_space<semaphore_mem>>)
      %dma_wait3A = tpu.memref_slice %arg2[%mul3A_2] : memref<4096xi32, #tpu.memory_space<hbm>> -> memref<128xi32, #tpu.memory_space<hbm>>
      %dma_wait3A_9 = tpu.memref_slice %arg2[%mul3A_2] : memref<4096xi32, #tpu.memory_space<hbm>> -> memref<128xi32, #tpu.memory_space<hbm>>
      tpu.wait_dma2 semaphore(%run_scoped3A : memref<!tpu.dma_semaphore, #tpu.memory_space<semaphore_mem>>) src(%dma_wait3A_9 : memref<128xi32, #tpu.memory_space<hbm>>) dst(%arg5 : memref<128xi32, #tpu.memory_space<vmem>>)
      tpu.yield
    }) : () -> ()
    %scan3A = arith.constant 0 : i32
    %scan3A_3 = arith.constant 0 : i32
    %scan3A_4 = arith.constant 2 : i32
    %scan3A_5 = arith.addi %scan3A_3, %scan3A_4 : i32
    %scan3A_6 = arith.constant 1 : i32
    scf.for %scan3A_8 = %scan3A_3 to %scan3A_5 step %scan3A_6  : i32 {
      %mul3A_9 = arith.constant 64 : i32
      %mul3A_10 = arith.muli %scan3A_8, %mul3A_9 : i32
      %multiple_of3A = arith.constant 0 : i32
      %multiple_of3A_11 = tpu.assume_multiple %multiple_of3A, 128 : i32
      %dma_start3A = arith.constant 0 : i32
      %dma_start3A_12 = arith.constant 0 : i32
      %dma_start3A_13 = tpu.memref_slice %arg6[%dma_start3A, %dma_start3A_12] : memref<64x1024xf32, #tpu.memory_space<vmem>> -> memref<64x128xf32, #tpu.memory_space<vmem>>
      %dma_start3A_14 = tpu.memref_slice %arg5[%mul3A_10] : memref<128xi32, #tpu.memory_space<vmem>> -> memref<64xi32, #tpu.memory_space<vmem>>
      %dma_start3A_15 = arith.constant 0 : i32
      %dma_start3A_16 = tpu.memref_slice %arg3[%dma_start3A_15, %multiple_of3A_11] : memref<100000x1000xf32, #tpu.memory_space<hbm>> -> memref<100000x128xf32, #tpu.memory_space<hbm>>
      tpu.enqueue_indirect_dma source(%dma_start3A_16 : memref<100000x128xf32, #tpu.memory_space<hbm>>) target(%dma_start3A_13 : memref<64x128xf32, #tpu.memory_space<vmem>>) offsets(%dma_start3A_14 : memref<64xi32, #tpu.memory_space<vmem>>) semaphore(%arg7 : memref<!tpu.dma_semaphore, #tpu.memory_space<semaphore_mem>>)
      %multiple_of3A_17 = arith.constant 128 : i32
      %multiple_of3A_18 = tpu.assume_multiple %multiple_of3A_17, 128 : i32
      %dma_start3A_19 = arith.constant 0 : i32
      %dma_start3A_20 = arith.constant 128 : i32
      %dma_start3A_21 = tpu.memref_slice %arg6[%dma_start3A_19, %dma_start3A_20] : memref<64x1024xf32, #tpu.memory_space<vmem>> -> memref<64x128xf32, #tpu.memory_space<vmem>>
      %dma_start3A_22 = tpu.memref_slice %arg5[%mul3A_10] : memref<128xi32, #tpu.memory_space<vmem>> -> memref<64xi32, #tpu.memory_space<vmem>>
      %dma_start3A_23 = arith.constant 0 : i32
      %dma_start3A_24 = tpu.memref_slice %arg3[%dma_start3A_23, %multiple_of3A_18] : memref<100000x1000xf32, #tpu.memory_space<hbm>> -> memref<100000x128xf32, #tpu.memory_space<hbm>>
      tpu.enqueue_indirect_dma source(%dma_start3A_24 : memref<100000x128xf32, #tpu.memory_space<hbm>>) target(%dma_start3A_21 : memref<64x128xf32, #tpu.memory_space<vmem>>) offsets(%dma_start3A_22 : memref<64xi32, #tpu.memory_space<vmem>>) semaphore(%arg7 : memref<!tpu.dma_semaphore, #tpu.memory_space<semaphore_mem>>)
      %multiple_of3A_25 = arith.constant 256 : i32
      %multiple_of3A_26 = tpu.assume_multiple %multiple_of3A_25, 128 : i32
      %dma_start3A_27 = arith.constant 0 : i32
      %dma_start3A_28 = arith.constant 256 : i32
      %dma_start3A_29 = tpu.memref_slice %arg6[%dma_start3A_27, %dma_start3A_28] : memref<64x1024xf32, #tpu.memory_space<vmem>> -> memref<64x128xf32, #tpu.memory_space<vmem>>
      %dma_start3A_30 = tpu.memref_slice %arg5[%mul3A_10] : memref<128xi32, #tpu.memory_space<vmem>> -> memref<64xi32, #tpu.memory_space<vmem>>
      %dma_start3A_31 = arith.constant 0 : i32
      %dma_start3A_32 = tpu.memref_slice %arg3[%dma_start3A_31, %multiple_of3A_26] : memref<100000x1000xf32, #tpu.memory_space<hbm>> -> memref<100000x128xf32, #tpu.memory_space<hbm>>
      tpu.enqueue_indirect_dma source(%dma_start3A_32 : memref<100000x128xf32, #tpu.memory_space<hbm>>) target(%dma_start3A_29 : memref<64x128xf32, #tpu.memory_space<vmem>>) offsets(%dma_start3A_30 : memref<64xi32, #tpu.memory_space<vmem>>) semaphore(%arg7 : memref<!tpu.dma_semaphore, #tpu.memory_space<semaphore_mem>>)
      %multiple_of3A_33 = arith.constant 384 : i32
      %multiple_of3A_34 = tpu.assume_multiple %multiple_of3A_33, 128 : i32
      %dma_start3A_35 = arith.constant 0 : i32
      %dma_start3A_36 = arith.constant 384 : i32
      %dma_start3A_37 = tpu.memref_slice %arg6[%dma_start3A_35, %dma_start3A_36] : memref<64x1024xf32, #tpu.memory_space<vmem>> -> memref<64x128xf32, #tpu.memory_space<vmem>>
      %dma_start3A_38 = tpu.memref_slice %arg5[%mul3A_10] : memref<128xi32, #tpu.memory_space<vmem>> -> memref<64xi32, #tpu.memory_space<vmem>>
      %dma_start3A_39 = arith.constant 0 : i32
      %dma_start3A_40 = tpu.memref_slice %arg3[%dma_start3A_39, %multiple_of3A_34] : memref<100000x1000xf32, #tpu.memory_space<hbm>> -> memref<100000x128xf32, #tpu.memory_space<hbm>>
      tpu.enqueue_indirect_dma source(%dma_start3A_40 : memref<100000x128xf32, #tpu.memory_space<hbm>>) target(%dma_start3A_37 : memref<64x128xf32, #tpu.memory_space<vmem>>) offsets(%dma_start3A_38 : memref<64xi32, #tpu.memory_space<vmem>>) semaphore(%arg7 : memref<!tpu.dma_semaphore, #tpu.memory_space<semaphore_mem>>)
      %multiple_of3A_41 = arith.constant 512 : i32
      %multiple_of3A_42 = tpu.assume_multiple %multiple_of3A_41, 128 : i32
      %dma_start3A_43 = arith.constant 0 : i32
      %dma_start3A_44 = arith.constant 512 : i32
      %dma_start3A_45 = tpu.memref_slice %arg6[%dma_start3A_43, %dma_start3A_44] : memref<64x1024xf32, #tpu.memory_space<vmem>> -> memref<64x128xf32, #tpu.memory_space<vmem>>
      %dma_start3A_46 = tpu.memref_slice %arg5[%mul3A_10] : memref<128xi32, #tpu.memory_space<vmem>> -> memref<64xi32, #tpu.memory_space<vmem>>
      %dma_start3A_47 = arith.constant 0 : i32
      %dma_start3A_48 = tpu.memref_slice %arg3[%dma_start3A_47, %multiple_of3A_42] : memref<100000x1000xf32, #tpu.memory_space<hbm>> -> memref<100000x128xf32, #tpu.memory_space<hbm>>
      tpu.enqueue_indirect_dma source(%dma_start3A_48 : memref<100000x128xf32, #tpu.memory_space<hbm>>) target(%dma_start3A_45 : memref<64x128xf32, #tpu.memory_space<vmem>>) offsets(%dma_start3A_46 : memref<64xi32, #tpu.memory_space<vmem>>) semaphore(%arg7 : memref<!tpu.dma_semaphore, #tpu.memory_space<semaphore_mem>>)
      %multiple_of3A_49 = arith.constant 640 : i32
      %multiple_of3A_50 = tpu.assume_multiple %multiple_of3A_49, 128 : i32
      %dma_start3A_51 = arith.constant 0 : i32
      %dma_start3A_52 = arith.constant 640 : i32
      %dma_start3A_53 = tpu.memref_slice %arg6[%dma_start3A_51, %dma_start3A_52] : memref<64x1024xf32, #tpu.memory_space<vmem>> -> memref<64x128xf32, #tpu.memory_space<vmem>>
      %dma_start3A_54 = tpu.memref_slice %arg5[%mul3A_10] : memref<128xi32, #tpu.memory_space<vmem>> -> memref<64xi32, #tpu.memory_space<vmem>>
      %dma_start3A_55 = arith.constant 0 : i32
      %dma_start3A_56 = tpu.memref_slice %arg3[%dma_start3A_55, %multiple_of3A_50] : memref<100000x1000xf32, #tpu.memory_space<hbm>> -> memref<100000x128xf32, #tpu.memory_space<hbm>>
      tpu.enqueue_indirect_dma source(%dma_start3A_56 : memref<100000x128xf32, #tpu.memory_space<hbm>>) target(%dma_start3A_53 : memref<64x128xf32, #tpu.memory_space<vmem>>) offsets(%dma_start3A_54 : memref<64xi32, #tpu.memory_space<vmem>>) semaphore(%arg7 : memref<!tpu.dma_semaphore, #tpu.memory_space<semaphore_mem>>)
      %multiple_of3A_57 = arith.constant 768 : i32
      %multiple_of3A_58 = tpu.assume_multiple %multiple_of3A_57, 128 : i32
      %dma_start3A_59 = arith.constant 0 : i32
      %dma_start3A_60 = arith.constant 768 : i32
      %dma_start3A_61 = tpu.memref_slice %arg6[%dma_start3A_59, %dma_start3A_60] : memref<64x1024xf32, #tpu.memory_space<vmem>> -> memref<64x128xf32, #tpu.memory_space<vmem>>
      %dma_start3A_62 = tpu.memref_slice %arg5[%mul3A_10] : memref<128xi32, #tpu.memory_space<vmem>> -> memref<64xi32, #tpu.memory_space<vmem>>
      %dma_start3A_63 = arith.constant 0 : i32
      %dma_start3A_64 = tpu.memref_slice %arg3[%dma_start3A_63, %multiple_of3A_58] : memref<100000x1000xf32, #tpu.memory_space<hbm>> -> memref<100000x128xf32, #tpu.memory_space<hbm>>
      tpu.enqueue_indirect_dma source(%dma_start3A_64 : memref<100000x128xf32, #tpu.memory_space<hbm>>) target(%dma_start3A_61 : memref<64x128xf32, #tpu.memory_space<vmem>>) offsets(%dma_start3A_62 : memref<64xi32, #tpu.memory_space<vmem>>) semaphore(%arg7 : memref<!tpu.dma_semaphore, #tpu.memory_space<semaphore_mem>>)
      %multiple_of3A_65 = arith.constant 896 : i32
      %multiple_of3A_66 = tpu.assume_multiple %multiple_of3A_65, 128 : i32
      %dma_start3A_67 = arith.constant 0 : i32
      %dma_start3A_68 = arith.constant 896 : i32
      %dma_start3A_69 = tpu.memref_slice %arg6[%dma_start3A_67, %dma_start3A_68] : memref<64x1024xf32, #tpu.memory_space<vmem>> -> memref<64x128xf32, #tpu.memory_space<vmem>>
      %dma_start3A_70 = tpu.memref_slice %arg5[%mul3A_10] : memref<128xi32, #tpu.memory_space<vmem>> -> memref<64xi32, #tpu.memory_space<vmem>>
      %dma_start3A_71 = arith.constant 0 : i32
      %dma_start3A_72 = tpu.memref_slice %arg3[%dma_start3A_71, %multiple_of3A_66] : memref<100000x1000xf32, #tpu.memory_space<hbm>> -> memref<100000x128xf32, #tpu.memory_space<hbm>>
      tpu.enqueue_indirect_dma source(%dma_start3A_72 : memref<100000x128xf32, #tpu.memory_space<hbm>>) target(%dma_start3A_69 : memref<64x128xf32, #tpu.memory_space<vmem>>) offsets(%dma_start3A_70 : memref<64xi32, #tpu.memory_space<vmem>>) semaphore(%arg7 : memref<!tpu.dma_semaphore, #tpu.memory_space<semaphore_mem>>)
      %dma_wait3A = arith.constant 0 : i32
      %dma_wait3A_73 = arith.constant 0 : i32
      %dma_wait3A_74 = tpu.memref_slice %arg6[%dma_wait3A, %dma_wait3A_73] : memref<64x1024xf32, #tpu.memory_space<vmem>> -> memref<64x128xf32, #tpu.memory_space<vmem>>
      %dma_wait3A_75 = tpu.memref_slice %arg5[%mul3A_10] : memref<128xi32, #tpu.memory_space<vmem>> -> memref<64xi32, #tpu.memory_space<vmem>>
      %dma_wait3A_76 = arith.constant 0 : i32
      %dma_wait3A_77 = tpu.memref_slice %arg3[%dma_wait3A_76, %multiple_of3A_11] : memref<100000x1000xf32, #tpu.memory_space<hbm>> -> memref<100000x128xf32, #tpu.memory_space<hbm>>
      tpu.wait_indirect_dma semaphore(%arg7 : memref<!tpu.dma_semaphore, #tpu.memory_space<semaphore_mem>>) src(%dma_wait3A_77 : memref<100000x128xf32, #tpu.memory_space<hbm>>) dst(%dma_wait3A_74 : memref<64x128xf32, #tpu.memory_space<vmem>>)
      %dma_wait3A_78 = arith.constant 0 : i32
      %dma_wait3A_79 = arith.constant 128 : i32
      %dma_wait3A_80 = tpu.memref_slice %arg6[%dma_wait3A_78, %dma_wait3A_79] : memref<64x1024xf32, #tpu.memory_space<vmem>> -> memref<64x128xf32, #tpu.memory_space<vmem>>
      %dma_wait3A_81 = tpu.memref_slice %arg5[%mul3A_10] : memref<128xi32, #tpu.memory_space<vmem>> -> memref<64xi32, #tpu.memory_space<vmem>>
      %dma_wait3A_82 = arith.constant 0 : i32
      %dma_wait3A_83 = tpu.memref_slice %arg3[%dma_wait3A_82, %multiple_of3A_18] : memref<100000x1000xf32, #tpu.memory_space<hbm>> -> memref<100000x128xf32, #tpu.memory_space<hbm>>
      tpu.wait_indirect_dma semaphore(%arg7 : memref<!tpu.dma_semaphore, #tpu.memory_space<semaphore_mem>>) src(%dma_wait3A_83 : memref<100000x128xf32, #tpu.memory_space<hbm>>) dst(%dma_wait3A_80 : memref<64x128xf32, #tpu.memory_space<vmem>>)
      %dma_wait3A_84 = arith.constant 0 : i32
      %dma_wait3A_85 = arith.constant 256 : i32
      %dma_wait3A_86 = tpu.memref_slice %arg6[%dma_wait3A_84, %dma_wait3A_85] : memref<64x1024xf32, #tpu.memory_space<vmem>> -> memref<64x128xf32, #tpu.memory_space<vmem>>
      %dma_wait3A_87 = tpu.memref_slice %arg5[%mul3A_10] : memref<128xi32, #tpu.memory_space<vmem>> -> memref<64xi32, #tpu.memory_space<vmem>>
      %dma_wait3A_88 = arith.constant 0 : i32
      %dma_wait3A_89 = tpu.memref_slice %arg3[%dma_wait3A_88, %multiple_of3A_26] : memref<100000x1000xf32, #tpu.memory_space<hbm>> -> memref<100000x128xf32, #tpu.memory_space<hbm>>
      tpu.wait_indirect_dma semaphore(%arg7 : memref<!tpu.dma_semaphore, #tpu.memory_space<semaphore_mem>>) src(%dma_wait3A_89 : memref<100000x128xf32, #tpu.memory_space<hbm>>) dst(%dma_wait3A_86 : memref<64x128xf32, #tpu.memory_space<vmem>>)
      %dma_wait3A_90 = arith.constant 0 : i32
      %dma_wait3A_91 = arith.constant 384 : i32
      %dma_wait3A_92 = tpu.memref_slice %arg6[%dma_wait3A_90, %dma_wait3A_91] : memref<64x1024xf32, #tpu.memory_space<vmem>> -> memref<64x128xf32, #tpu.memory_space<vmem>>
      %dma_wait3A_93 = tpu.memref_slice %arg5[%mul3A_10] : memref<128xi32, #tpu.memory_space<vmem>> -> memref<64xi32, #tpu.memory_space<vmem>>
      %dma_wait3A_94 = arith.constant 0 : i32
      %dma_wait3A_95 = tpu.memref_slice %arg3[%dma_wait3A_94, %multiple_of3A_34] : memref<100000x1000xf32, #tpu.memory_space<hbm>> -> memref<100000x128xf32, #tpu.memory_space<hbm>>
      tpu.wait_indirect_dma semaphore(%arg7 : memref<!tpu.dma_semaphore, #tpu.memory_space<semaphore_mem>>) src(%dma_wait3A_95 : memref<100000x128xf32, #tpu.memory_space<hbm>>) dst(%dma_wait3A_92 : memref<64x128xf32, #tpu.memory_space<vmem>>)
      %dma_wait3A_96 = arith.constant 0 : i32
      %dma_wait3A_97 = arith.constant 512 : i32
      %dma_wait3A_98 = tpu.memref_slice %arg6[%dma_wait3A_96, %dma_wait3A_97] : memref<64x1024xf32, #tpu.memory_space<vmem>> -> memref<64x128xf32, #tpu.memory_space<vmem>>
      %dma_wait3A_99 = tpu.memref_slice %arg5[%mul3A_10] : memref<128xi32, #tpu.memory_space<vmem>> -> memref<64xi32, #tpu.memory_space<vmem>>
      %dma_wait3A_100 = arith.constant 0 : i32
      %dma_wait3A_101 = tpu.memref_slice %arg3[%dma_wait3A_100, %multiple_of3A_42] : memref<100000x1000xf32, #tpu.memory_space<hbm>> -> memref<100000x128xf32, #tpu.memory_space<hbm>>
      tpu.wait_indirect_dma semaphore(%arg7 : memref<!tpu.dma_semaphore, #tpu.memory_space<semaphore_mem>>) src(%dma_wait3A_101 : memref<100000x128xf32, #tpu.memory_space<hbm>>) dst(%dma_wait3A_98 : memref<64x128xf32, #tpu.memory_space<vmem>>)
      %dma_wait3A_102 = arith.constant 0 : i32
      %dma_wait3A_103 = arith.constant 640 : i32
      %dma_wait3A_104 = tpu.memref_slice %arg6[%dma_wait3A_102, %dma_wait3A_103] : memref<64x1024xf32, #tpu.memory_space<vmem>> -> memref<64x128xf32, #tpu.memory_space<vmem>>
      %dma_wait3A_105 = tpu.memref_slice %arg5[%mul3A_10] : memref<128xi32, #tpu.memory_space<vmem>> -> memref<64xi32, #tpu.memory_space<vmem>>
      %dma_wait3A_106 = arith.constant 0 : i32
      %dma_wait3A_107 = tpu.memref_slice %arg3[%dma_wait3A_106, %multiple_of3A_50] : memref<100000x1000xf32, #tpu.memory_space<hbm>> -> memref<100000x128xf32, #tpu.memory_space<hbm>>
      tpu.wait_indirect_dma semaphore(%arg7 : memref<!tpu.dma_semaphore, #tpu.memory_space<semaphore_mem>>) src(%dma_wait3A_107 : memref<100000x128xf32, #tpu.memory_space<hbm>>) dst(%dma_wait3A_104 : memref<64x128xf32, #tpu.memory_space<vmem>>)
      %dma_wait3A_108 = arith.constant 0 : i32
      %dma_wait3A_109 = arith.constant 768 : i32
      %dma_wait3A_110 = tpu.memref_slice %arg6[%dma_wait3A_108, %dma_wait3A_109] : memref<64x1024xf32, #tpu.memory_space<vmem>> -> memref<64x128xf32, #tpu.memory_space<vmem>>
      %dma_wait3A_111 = tpu.memref_slice %arg5[%mul3A_10] : memref<128xi32, #tpu.memory_space<vmem>> -> memref<64xi32, #tpu.memory_space<vmem>>
      %dma_wait3A_112 = arith.constant 0 : i32
      %dma_wait3A_113 = tpu.memref_slice %arg3[%dma_wait3A_112, %multiple_of3A_58] : memref<100000x1000xf32, #tpu.memory_space<hbm>> -> memref<100000x128xf32, #tpu.memory_space<hbm>>
      tpu.wait_indirect_dma semaphore(%arg7 : memref<!tpu.dma_semaphore, #tpu.memory_space<semaphore_mem>>) src(%dma_wait3A_113 : memref<100000x128xf32, #tpu.memory_space<hbm>>) dst(%dma_wait3A_110 : memref<64x128xf32, #tpu.memory_space<vmem>>)
      %dma_wait3A_114 = arith.constant 0 : i32
      %dma_wait3A_115 = arith.constant 896 : i32
      %dma_wait3A_116 = tpu.memref_slice %arg6[%dma_wait3A_114, %dma_wait3A_115] : memref<64x1024xf32, #tpu.memory_space<vmem>> -> memref<64x128xf32, #tpu.memory_space<vmem>>
      %dma_wait3A_117 = tpu.memref_slice %arg5[%mul3A_10] : memref<128xi32, #tpu.memory_space<vmem>> -> memref<64xi32, #tpu.memory_space<vmem>>
      %dma_wait3A_118 = arith.constant 0 : i32
      %dma_wait3A_119 = tpu.memref_slice %arg3[%dma_wait3A_118, %multiple_of3A_66] : memref<100000x1000xf32, #tpu.memory_space<hbm>> -> memref<100000x128xf32, #tpu.memory_space<hbm>>
      tpu.wait_indirect_dma semaphore(%arg7 : memref<!tpu.dma_semaphore, #tpu.memory_space<semaphore_mem>>) src(%dma_wait3A_119 : memref<100000x128xf32, #tpu.memory_space<hbm>>) dst(%dma_wait3A_116 : memref<64x128xf32, #tpu.memory_space<vmem>>)
      %mul3A_120 = arith.constant 64 : i32
      %mul3A_121 = arith.muli %scan3A_8, %mul3A_120 : i32
      %add3A_122 = arith.addi %mul3A_2, %mul3A_121 : i32
      "tpu.region"() ({
        %run_scoped3A = tpu.sem_alloc : memref<!tpu.dma_semaphore, #tpu.memory_space<semaphore_mem>>
        %dma_start3A_123 = arith.constant 0 : i32
        %dma_start3A_124 = tpu.memref_slice %arg4[%add3A_122, %dma_start3A_123] : memref<4096x1024xf32, #tpu.memory_space<hbm>> -> memref<64x1024xf32, #tpu.memory_space<hbm>>
        %dma_start3A_125 = arith.constant 0 : i32
        %dma_start3A_126 = tpu.memref_slice %arg4[%add3A_122, %dma_start3A_125] : memref<4096x1024xf32, #tpu.memory_space<hbm>> -> memref<64x1024xf32, #tpu.memory_space<hbm>>
        tpu.enqueue_dma source(%arg6 : memref<64x1024xf32, #tpu.memory_space<vmem>>) target(%dma_start3A_126 : memref<64x1024xf32, #tpu.memory_space<hbm>>) target_semaphore(%run_scoped3A : memref<!tpu.dma_semaphore, #tpu.memory_space<semaphore_mem>>)
        %dma_wait3A_127 = arith.constant 0 : i32
        %dma_wait3A_128 = tpu.memref_slice %arg4[%add3A_122, %dma_wait3A_127] : memref<4096x1024xf32, #tpu.memory_space<hbm>> -> memref<64x1024xf32, #tpu.memory_space<hbm>>
        %dma_wait3A_129 = arith.constant 0 : i32
        %dma_wait3A_130 = tpu.memref_slice %arg4[%add3A_122, %dma_wait3A_129] : memref<4096x1024xf32, #tpu.memory_space<hbm>> -> memref<64x1024xf32, #tpu.memory_space<hbm>>
        tpu.wait_dma2 semaphore(%run_scoped3A : memref<!tpu.dma_semaphore, #tpu.memory_space<semaphore_mem>>) src(%arg6 : memref<64x1024xf32, #tpu.memory_space<vmem>>) dst(%dma_wait3A_130 : memref<64x1024xf32, #tpu.memory_space<hbm>>)
        tpu.yield
      }) : () -> ()
    }
    %scan3A_7 = arith.constant 2 : i32
    return
  }
}

module attributes {stable_mosaic.version = 14 : i64} {
  func.func @_fused_body(%arg0: i32, %arg1: memref<512x1000xf32, #tpu.memory_space<vmem>>, %arg2: memref<1x1x512xi32, #tpu.memory_space<vmem>>, %arg3: memref<512x1024xf32, #tpu.memory_space<vmem>>, %arg4: memref<1x1xf32, #tpu.memory_space<smem>>) attributes {dimension_semantics = [#tpu.dimension_semantics<arbitrary>], iteration_bounds = array<i64: 8>, scalar_prefetch = 0 : i64, scratch_operands = 0 : i64, tpu.core_type = #tpu.core_type<tc>, window_params = [{transform_indices = @transform_0, window_bounds = array<i64: 512, 1000>}, {transform_indices = @transform_1, window_bounds = array<i64: 1, 1, 512>}, {transform_indices = @transform_2, window_bounds = array<i64: 512, 1024>}, {transform_indices = @transform_3, window_bounds = array<i64: 1, 1>}]} {
    %get3A = arith.constant 0 : index
    %get3A_0 = arith.constant 0 : index
    %get3A_1 = vector.load %arg1[%get3A, %get3A_0] : memref<512x1000xf32, #tpu.memory_space<vmem>>, vector<512x1000xf32>
    %get3A_2 = arith.constant 0 : index
    %get3A_3 = arith.constant 0 : index
    %get3A_4 = vector.load %arg3[%get3A_2, %get3A_3] : memref<512x1024xf32, #tpu.memory_space<vmem>>, vector<512x1024xf32>
    %get3A_5 = arith.constant 0 : index
    %get3A_6 = arith.constant 0 : index
    %get3A_7 = arith.constant 0 : index
    %get3A_8 = vector.load %arg2[%get3A_5, %get3A_6, %get3A_7] : memref<1x1x512xi32, #tpu.memory_space<vmem>>, vector<1x1x512xi32>
    %get3A_9 = vector.shape_cast %get3A_8 : vector<1x1x512xi32> to vector<512xi32>
    %reduce_max3A = arith.constant dense<0xFF800000> : vector<512xf32>
    %reduce_max3A_10 = vector.multi_reduction <maximumf>, %get3A_1, %reduce_max3A [1] : vector<512x1000xf32> to vector<512xf32>
    %broadcast_in_dim3A = vector.shape_cast %reduce_max3A_10 : vector<512xf32> to vector<512x1xf32>
    %sub3A = vector.broadcast %broadcast_in_dim3A : vector<512x1xf32> to vector<512x1000xf32>
    %sub3A_11 = arith.subf %get3A_1, %sub3A : vector<512x1000xf32>
    %exp3A = math.exp %sub3A_11 : vector<512x1000xf32>
    %reduce_sum3A = arith.constant dense<0.000000e+00> : vector<512xf32>
    %reduce_sum3A_12 = vector.multi_reduction <add>, %exp3A, %reduce_sum3A [1] : vector<512x1000xf32> to vector<512xf32>
    %broadcast_in_dim3A_13 = vector.shape_cast %reduce_sum3A_12 : vector<512xf32> to vector<512x1xf32>
    %squeeze3A = vector.shape_cast %broadcast_in_dim3A : vector<512x1xf32> to vector<512xf32>
    %squeeze3A_14 = vector.shape_cast %broadcast_in_dim3A_13 : vector<512x1xf32> to vector<512xf32>
    %log3A = math.log %squeeze3A_14 : vector<512xf32>
    %add3A = arith.addf %squeeze3A, %log3A : vector<512xf32>
    %div3A = vector.broadcast %broadcast_in_dim3A_13 : vector<512x1xf32> to vector<512x1000xf32>
    %div3A_15 = arith.divf %exp3A, %div3A : vector<512x1000xf32>
    %jit3A = arith.constant 9.99999974E-5 : f32
    %jit3A_16 = arith.constant 0.999899983 : f32
    %max3A = vector.broadcast %jit3A : f32 to vector<512x1000xf32>
    %max3A_17 = arith.maximumf %max3A, %div3A_15 : vector<512x1000xf32>
    %min3A = vector.broadcast %jit3A_16 : f32 to vector<512x1000xf32>
    %min3A_18 = arith.minimumf %min3A, %max3A_17 : vector<512x1000xf32>
    %reduce_sum3A_19 = arith.constant dense<0.000000e+00> : vector<512xf32>
    %reduce_sum3A_20 = vector.multi_reduction <add>, %min3A_18, %reduce_sum3A_19 [1] : vector<512x1000xf32> to vector<512xf32>
    %mul3A = arith.mulf %min3A_18, %min3A_18 : vector<512x1000xf32>
    %reduce_sum3A_21 = arith.constant dense<0.000000e+00> : vector<512xf32>
    %reduce_sum3A_22 = vector.multi_reduction <add>, %mul3A, %reduce_sum3A_21 [1] : vector<512x1000xf32> to vector<512xf32>
    %div3A_23 = arith.divf %reduce_sum3A_22, %reduce_sum3A_20 : vector<512xf32>
    %slice3A = vector.extract_strided_slice %get3A_4 {offsets = [0, 0], sizes = [512, 1000], strides = [1, 1]} : vector<512x1024xf32> to vector<512x1000xf32>
    %mul3A_24 = arith.mulf %slice3A, %min3A_18 : vector<512x1000xf32>
    %reduce_sum3A_25 = arith.constant dense<0.000000e+00> : vector<512xf32>
    %reduce_sum3A_26 = vector.multi_reduction <add>, %mul3A_24, %reduce_sum3A_25 [1] : vector<512x1000xf32> to vector<512xf32>
    %iota3A = tpu.iota {dimensions = array<i32: 1>} : vector<512x1000xi32>
    %broadcast_in_dim3A_27 = vector.shape_cast %get3A_9 : vector<512xi32> to vector<512x1xi32>
    %eq3A = vector.broadcast %broadcast_in_dim3A_27 : vector<512x1xi32> to vector<512x1000xi32>
    %eq3A_28 = arith.cmpi eq, %iota3A, %eq3A : vector<512x1000xi32>
    %jit3A_29 = arith.constant 0.000000e+00 : f32
    %broadcast_in_dim3A_30 = vector.broadcast %jit3A_29 : f32 to vector<512x1000xf32>
    %select_n3A = arith.select %eq3A_28, %get3A_1, %broadcast_in_dim3A_30 : vector<512x1000xi1>, vector<512x1000xf32>
    %reduce_sum3A_31 = arith.constant dense<0.000000e+00> : vector<512xf32>
    %reduce_sum3A_32 = vector.multi_reduction <add>, %select_n3A, %reduce_sum3A_31 [1] : vector<512x1000xf32> to vector<512xf32>
    %sub3A_33 = arith.subf %add3A, %reduce_sum3A_32 : vector<512xf32>
    %mul3A_34 = arith.constant 0.699999988 : f32
    %mul3A_35 = vector.broadcast %mul3A_34 : f32 to vector<512xf32>
    %mul3A_36 = arith.mulf %mul3A_35, %reduce_sum3A_26 : vector<512xf32>
    %mul3A_37 = arith.constant 3.000000e-01 : f32
    %mul3A_38 = vector.broadcast %mul3A_37 : f32 to vector<512xf32>
    %mul3A_39 = arith.mulf %mul3A_38, %div3A_23 : vector<512xf32>
    %add3A_40 = arith.addf %mul3A_36, %mul3A_39 : vector<512xf32>
    %sub3A_41 = arith.constant 1.000000e+00 : f32
    %sub3A_42 = vector.broadcast %sub3A_41 : f32 to vector<512xf32>
    %sub3A_43 = arith.subf %sub3A_42, %add3A_40 : vector<512xf32>
    %log3A_44 = math.log %sub3A_43 : vector<512xf32>
    %reduce_sum3A_45 = vector.shape_cast %sub3A_33 : vector<512xf32> to vector<1x512xf32>
    %reduce_sum3A_46 = arith.constant dense<0.000000e+00> : vector<1xf32>
    %reduce_sum3A_47 = vector.multi_reduction <add>, %reduce_sum3A_45, %reduce_sum3A_46 [1] : vector<1x512xf32> to vector<1xf32>
    %reduce_sum3A_48 = vector.shape_cast %reduce_sum3A_47 : vector<1xf32> to vector<1x1xf32>
    %reduce_sum3A_49 = vector.extract %reduce_sum3A_48[0, 0] : f32 from vector<1x1xf32>
    %reduce_sum3A_50 = vector.shape_cast %log3A_44 : vector<512xf32> to vector<1x512xf32>
    %reduce_sum3A_51 = arith.constant dense<0.000000e+00> : vector<1xf32>
    %reduce_sum3A_52 = vector.multi_reduction <add>, %reduce_sum3A_50, %reduce_sum3A_51 [1] : vector<1x512xf32> to vector<1xf32>
    %reduce_sum3A_53 = vector.shape_cast %reduce_sum3A_52 : vector<1xf32> to vector<1x1xf32>
    %reduce_sum3A_54 = vector.extract %reduce_sum3A_53[0, 0] : f32 from vector<1x1xf32>
    %mul3A_55 = arith.constant 5.000000e-01 : f32
    %mul3A_56 = arith.mulf %mul3A_55, %reduce_sum3A_54 : f32
    %add3A_57 = arith.addf %reduce_sum3A_49, %mul3A_56 : f32
    %mul3A_58 = arith.constant 2.44140625E-4 : f32
    %mul3A_59 = arith.mulf %add3A_57, %mul3A_58 : f32
    %eq3A_60 = arith.constant 0 : i32
    %eq3A_61 = arith.cmpi eq, %arg0, %eq3A_60 : i32
    %convert_element_type3A = arith.extui %eq3A_61 : i1 to i32
    %cond3A = arith.constant 0 : i32
    %cond3A_62 = arith.cmpi ne, %convert_element_type3A, %cond3A : i32
    scf.if %cond3A_62 {
      %swap3A = arith.constant 0 : index
      %swap3A_67 = arith.constant 0 : index
      %swap3A_68 = memref.load %arg4[%swap3A, %swap3A_67] : memref<1x1xf32, #tpu.memory_space<smem>>
      memref.store %mul3A_59, %arg4[%swap3A, %swap3A_67] : memref<1x1xf32, #tpu.memory_space<smem>>
    } else {
    }
    %ne3A = arith.constant 0 : i32
    %ne3A_63 = arith.cmpi ne, %arg0, %ne3A : i32
    %convert_element_type3A_64 = arith.extui %ne3A_63 : i1 to i32
    %cond3A_65 = arith.constant 0 : i32
    %cond3A_66 = arith.cmpi ne, %convert_element_type3A_64, %cond3A_65 : i32
    scf.if %cond3A_66 {
      %get3A_67 = arith.constant 0 : index
      %get3A_68 = arith.constant 0 : index
      %get3A_69 = memref.load %arg4[%get3A_67, %get3A_68] : memref<1x1xf32, #tpu.memory_space<smem>>
      %add3A_70 = arith.addf %get3A_69, %mul3A_59 : f32
      %swap3A = arith.constant 0 : index
      %swap3A_71 = arith.constant 0 : index
      %swap3A_72 = memref.load %arg4[%swap3A, %swap3A_71] : memref<1x1xf32, #tpu.memory_space<smem>>
      memref.store %add3A_70, %arg4[%swap3A, %swap3A_71] : memref<1x1xf32, #tpu.memory_space<smem>>
    } else {
    }
    return
  }
  func.func @transform_0(%arg0: i32) -> (i32, i32) {
    %c0_i32 = arith.constant 0 : i32
    %c0_i32_0 = arith.constant 0 : i32
    return %arg0, %c0_i32 : i32, i32
  }
  func.func @transform_1(%arg0: i32) -> (i32, i32, i32) {
    %c0_i32 = arith.constant 0 : i32
    %c0_i32_0 = arith.constant 0 : i32
    %c0_i32_1 = arith.constant 0 : i32
    return %arg0, %c0_i32, %c0_i32_0 : i32, i32, i32
  }
  func.func @transform_2(%arg0: i32) -> (i32, i32) {
    %c0_i32 = arith.constant 0 : i32
    %c0_i32_0 = arith.constant 0 : i32
    return %arg0, %c0_i32 : i32, i32
  }
  func.func @transform_3(%arg0: i32) -> (i32, i32) {
    %c0_i32 = arith.constant 0 : i32
    %c0_i32_0 = arith.constant 0 : i32
    %c0_i32_1 = arith.constant 0 : i32
    return %c0_i32, %c0_i32_0 : i32, i32
  }
}

</mosaic_0001>

<sc_bundles>
// kernel: kernel.4.cloned.1.call-start
scs
__scs_entry_jumppad:
0x0: {  	(pc) =	sbr.rel $0x88, $3  }
0x1: {  	(tag) =	ssettag $0x0;
	lr =	simm.s32 $0x1  }
0x2: {  	[smem:$0x3F9D] =	sst lr;
	_ =	strace $0xD0000000  }
0x3: {  	_ = 	snop  }
0x4: {  	_ = 	snop  }
0x5: {  	_ = 	snop  }
0x6: {  	_ = 	snop  }
0x7: {  	_ = 	snop  }
__scs_overlays_trampoline_lowered:
0x8: {  	[smem:$0x3FAC] =	sst s0  }
0x9: {  	[smem:$0x3FAD] =	sst s1  }
0xa: {  	[smem:$0x3FAE] =	sst s2  }
0xb: {  	[smem:$0x3FAF] =	sst s3  }
0xc: {  	[smem:$0x3FB0] =	sst s4  }
0xd: {  	[smem:$0x3FB1] =	sst s5  }
0xe: {  	[smem:$0x3FB2] =	sst s6  }
0xf: {  	[smem:$0x3FB3] =	sst s7  }
0x10: {  	[smem:$0x3FB4] =	sst s8  }
0x11: {  	[smem:$0x3FB5] =	sst s9;
	s0 =	simm.s32 @!p0 $0x0  }
0x12: {  	s1 =	sld [smem:$0x3F9B];
	s0 =	simm.s32 @p0 $0x1  }
0x13: {  	[smem:$0x3FB6] =	sst s0;
	s0 =	simm.s32 @!p1 $0x0  }
0x14: {  	s2 =	sld [smem:$0x3F9A];
	s0 =	simm.s32 @p1 $0x1  }
0x15: {  	[smem:$0x3FB7] =	sst s0;
	s0 =	simm.s32 @!p2 $0x0  }
0x16: {  	s3 =	sld [smem:$0x3FDB];
	s0 =	simm.s32 @p2 $0x1  }
0x17: {  	s4 =	simm.s32 $0x1BF5;
	[smem:$0x3FB9] =	sst s0  }
0x18: {  	s0 =	sld [smem:$0x3F9C];
	_ =	swait.ge [sflag:s4], $0x0  }
0x19: {  	s7 =	sld [smem:$0x3F9D]  }
0x1a: {  	s8 =	sadd.s32 $0xFFFFE003, lr  }
0x1b: {  	s9 =	sadd.s32 $0xFFFFFEF7, lr;
	s5 =	simm.s32 $0xFFFFFFFF;
	p2 =	slt.u32 s8, $0xFFFFF086  }
0x1c: {  	p1 =	slt.u32 s9, $0xF7A;
	s5 =	simm.s32 @!p2 $0x0  }
0x1d: {  	s5 =	simm.s32 @p1 $0x1;
	p0 =	seq.s32 s7, s2  }
0x1e: {  	s7 =	smul.u32 @!p0 $0xF7A, s2;
	p2 =	seq.s32 @!p0 s5, $0x0  }
0x1f: {  	s9 =	smul.u32 $0xF7A, s1;
	s8 =	simm.s32 @!p0 $0x1BF5;
	p2 =	por !p2, p0  }
0x20: {  	[sflag:s8] =	ssyncset.s32 @!p0 $0xFFFFF086;
	s6 =	sadd.s32 @!p0 s3, s7;
	s7 =	simm.s32 @!p0 $0x108  }
0x21: {  	s3 =	sadd.s32 s3, s9;
	s6 =	sadd.s32 @!p0 $0x88, s6;
	s7 =	simm.s32 @p2 $0x1082  }
0x22: {  	[simem:s7], [sflag:s8] =	dma.local @!p0 [hbm:s6], $0xF7A  }
0x23: {  	s9 =	sor.u32 $0xD0000000, s2;
	s6 =	simm.s32 $0x108;
	_ =	swait.ge @!p0 [sflag:s8], $0x0  }
0x24: {  	s3 =	sadd.s32 $0x88, s3;
	s6 =	simm.s32 @!p1 $0x1082;
	[sflag:s4] =	ssyncset.s32 $0xFFFFF086  }
0x25: {  	[simem:s6], [sflag:s4] =	dma.local [hbm:s3], $0xF7A  }
0x26: {  	[smem:$0x3F9D] =	sst s1;
	(tag) =	ssettag s2;
	_ =	strace s9  }
0x27: {  	s1 =	sld [smem:$0x3FAD]  }
0x28: {  	s2 =	sld [smem:$0x3FAE]  }
0x29: {  	s4 =	sld [smem:$0x3FB0]  }
0x2a: {  	p0 =	seq.s32 s5, $0x0;
	s5 =	sld [smem:$0x3FB1]  }
0x2b: {  	s6 =	sld [smem:$0x3FB2]  }
0x2c: {  	s7 =	sld [smem:$0x3FB3]  }
0x2d: {  	s3 =	simm.s32 $0x108;
	s8 =	sld [smem:$0x3FB4]  }
0x2e: {  	s3 =	simm.s32 @!p0 $0x1082;
	s9 =	sld [smem:$0x3FB5]  }
0x2f: {  	lr =	sadd.s32 s0, s3;
	s0 =	sld [smem:$0x3FAC]  }
0x30: {  	s3 =	sld [smem:$0x3FAF]  }
0x31: {  	[smem:$0x3FB8] =	sst s10  }
0x32: {  	s10 =	sld [smem:$0x3FB6];
	_ =	sdelay $0x3  }
0x33: {  	p0 =	seq.s32 s10, $0x1;
	s10 =	sld [smem:$0x3FB8];
	_ =	sdelay $0x3  }
0x34: {  	[smem:$0x3FB8] =	sst s10  }
0x35: {  	s10 =	sld [smem:$0x3FB7];
	_ =	sdelay $0x3  }
0x36: {  	p1 =	seq.s32 s10, $0x1;
	s10 =	sld [smem:$0x3FB8];
	_ =	sdelay $0x3  }
0x37: {  	[smem:$0x3FB8] =	sst s10  }
0x38: {  	s10 =	sld [smem:$0x3FB9]  }
0x39: {  	_ = 	snop;
	(pc) =	sbr.ind lr, $3  }
0x3a: {  	_ = 	snop  }
0x3b: {  	_ = 	snop  }
0x3c: {  	p2 =	seq.s32 s10, $0x1;
	s10 =	sld [smem:$0x3FB8]  }
0x3d: {  	_ =	shalt  }
0x3e: {  	_ =	shalt  }
0x3f: {  	_ =	shalt  }
0x40: {  	_ =	shalt  }
0x41: {  	_ =	shalt  }
0x42: {  	_ =	shalt  }
0x43: {  	_ =	shalt  }
0x44: {  	_ =	shalt  }
0x45: {  	_ =	shalt  }
0x46: {  	_ =	shalt  }
0x47: {  	_ =	shalt  }
0x48: {  	_ =	shalt  }
0x49: {  	_ =	shalt  }
0x4a: {  	_ =	shalt  }
0x4b: {  	_ =	shalt  }
0x4c: {  	_ =	shalt  }
0x4d: {  	_ =	shalt  }
0x4e: {  	_ =	shalt  }
0x4f: {  	_ =	shalt  }
0x50: {  	_ =	shalt  }
0x51: {  	_ =	shalt  }
0x52: {  	_ =	shalt  }
0x53: {  	_ =	shalt  }
0x54: {  	_ =	shalt  }
0x55: {  	_ =	shalt  }
0x56: {  	_ =	shalt  }
0x57: {  	_ =	shalt  }
0x58: {  	_ =	shalt  }
0x59: {  	_ =	shalt  }
0x5a: {  	_ =	shalt  }
0x5b: {  	_ =	shalt  }
0x5c: {  	_ =	shalt  }
0x5d: {  	_ =	shalt  }
0x5e: {  	_ =	shalt  }
0x5f: {  	_ =	shalt  }
0x60: {  	_ =	shalt  }
0x61: {  	_ =	shalt  }
0x62: {  	_ =	shalt  }
0x63: {  	_ =	shalt  }
0x64: {  	_ =	shalt  }
0x65: {  	_ =	shalt  }
0x66: {  	_ =	shalt  }
0x67: {  	_ =	shalt  }
0x68: {  	_ =	shalt  }
0x69: {  	_ =	shalt  }
0x6a: {  	_ =	shalt  }
0x6b: {  	_ =	shalt  }
0x6c: {  	_ =	shalt  }
0x6d: {  	_ =	shalt  }
0x6e: {  	_ =	shalt  }
0x6f: {  	_ =	shalt  }
0x70: {  	_ =	shalt  }
0x71: {  	_ =	shalt  }
0x72: {  	_ =	shalt  }
0x73: {  	_ =	shalt  }
0x74: {  	_ =	shalt  }
0x75: {  	_ =	shalt  }
0x76: {  	_ =	shalt  }
0x77: {  	_ =	shalt  }
0x78: {  	_ =	shalt  }
0x79: {  	_ =	shalt  }
0x7a: {  	_ =	shalt  }
0x7b: {  	_ =	shalt  }
0x7c: {  	_ =	shalt  }
0x7d: {  	_ =	shalt  }
0x7e: {  	_ =	shalt  }
0x7f: {  	_ =	shalt  }
0x80: {  	_ =	shalt  }
0x81: {  	_ =	shalt  }
0x82: {  	_ =	shalt  }
0x83: {  	_ =	shalt  }
0x84: {  	_ =	shalt  }
0x85: {  	_ =	shalt  }
0x86: {  	_ =	shalt  }
0x87: {  	_ =	shalt  }
.Lfunc_end0:
.L_simem_size_0:
called_computation_lowered:
.L_overlay_start_0:
0x88: {  	s2 =	sld [smem:$0x3FD9]  }
0x89: {  	s3 =	sld [smem:$0x3FFE];
	_ =	sdelay $0x1  }
0x8a: {  	s1 =	srdreg.scid  }
0x8b: {  	s0 =	sand.u32 $0x1, s1  }
0x8c: {  	s17 =	sshll.u32 s0, $0xA;
	s2 =	sadd.s32 s3, s2  }
0x8d: {  	s2 =	sadd.s32 s2, s17  }
0x8e: {  	[smem:$0x3FC4] =	sst s2  }
0x8f: {  	_ = 	snop  }
0x90: {  	s2 =	sld [smem:$0x3FC7];
	(tm) =	ssettm $0x1  }
0x91: {  	s18 =	sld [smem:$0x3FFB];
	_ =	sdelay $0x3  }
0x92: {  	_ =	strace s18  }
0x93: {  	s3 =	sld [smem:$0x3FFC];
	_ =	sdelay $0x3  }
0x94: {  	_ =	strace s3  }
0x95: {  	s3 =	sld [smem:$0x3FFD];
	_ =	sdelay $0x3  }
0x96: {  	_ =	strace s3  }
0x97: {  	_ =	strace $0x8FFFFFFF  }
0x98: {  	s19 =	sld [smem:$0x3FDB];
	_ =	sdelay $0x1  }
0x99: {  	s4 =	simm.s32 $_scs_section_size  }
0x9a: {  	s5 =	simm.s32 $_size__tile_overlayer_lowered;
	s6 =	simm.s32 $_tile_overlayer_lowered  }
0x9b: {  	s22 =	simm.s32 $0x1BFF;
	s21 =	sshll.u32 s6, $0x1;
	s3 =	sadd.s32 s4, s19  }
0x9c: {  	s7 =	simm.s32 $0x0;
	s20 =	sshll.u32 s5, $0x1;
	s5 =	sadd.s32 s21, s3  }
0x9d: {  	[timem:s7], [sflag:s22] =	dma.local [hbm:s5], s20  }
0x9e: {  	_ =	swait.ge [sflag:s22], s20  }
0x9f: {  	s4 =	ssub.s32 $0x0, s20;
	[sflag:s22] =	ssyncset.done $0x0  }
0xa0: {  	[sflag:s22] =	ssyncadd.s32 s4;
	_ =	sdelay $0x1  }
0xa1: {  	s23 =	simm.s32 $0x1B8B  }
0xa2: {  	_ =	swait.ge [sflag:s23], $0x1  }
0xa3: {  	[sflag:s23] =	ssyncset.done $0x0  }
0xa4: {  	s25 =	simm.s32 $0x1B8E;
	s24 =	sld [smem:$0x3FFE];
	[sflag:s23] =	ssyncadd.s32 $0xFFFFFFFF  }
0xa5: {  	s26 =	simm.s32 $execute0_lowered;
	[smem:$0x3FD2] =	sst s25  }
0xa6: {  	s5 =	sshll.u32 s26, $0x1;
	_ =	strace $0x80000046;
	[dreg:$0x1] =	wrdreg $0xFFFFFFFF  }
0xa7: {  	s28 =	simm.s32 $_size_execute0_lowered;
	s3 =	sadd.s32 s3, s5;
	[dreg:$0x0] =	wrdreg $0x0  }
0xa8: {  	s5 =	sshll.u32 s28, $0x1;
	[dreg:$0x2] =	wrdreg s3  }
0xa9: {  	[dreg:$0x3] =	wrdreg s5  }
0xaa: {  	[dreg:$0x4] =	wrdreg $0xC0  }
0xab: {  	_ =	task [dreg:s7], $0x5FFFF  }
0xac: {  	[dreg:$0x1] =	wrdreg $0xFFFFFFFF  }
0xad: {  	[dreg:$0x0] =	wrdreg $0x60  }
0xae: {  	[dreg:$0x2] =	wrdreg s2  }
0xaf: {  	[dreg:$0x3] =	wrdreg s24  }
0xb0: {  	[dreg:$0x4] =	wrdreg $0x9  }
0xb1: {  	_ =	task.clear_ibuf [dreg:s7], $0x5FFFF;
	_ =	strace $0x90000046  }
0xb2: {  	s29 =	simm.s32 $0x9;
	_ =	strace $0x80000048  }
0xb3: {  	_ =	swait.ge [sflag:s29], $0x1  }
0xb4: {  	[sflag:s29] =	ssyncadd.s32 $0xFFFFFFFF  }
0xb5: {  	_ =	strace $0x90000048  }
0xb6: {  	_ =	sfence  }
0xb7: {  	s30 =	sld [smem:$0x0];
	_ =	sdelay $0x2  }
0xb8: {  	s31 =	sshll.u32 s1, $0xD;
	s1 =	sshrl.u32 s1, $0x2  }
0xb9: {  	s3 =	sand.u32 $0x4000, s31;
	s1 =	sadd.s32 s1, s30  }
0xba: {  	s0 =	sor.u32 s3, s0;
	s1 =	sshll.u32 s1, $0x11  }
0xbb: {  	s0 =	sor.u32 s1, s0  }
0xbc: {  	s0 =	sadd.s32 $0x8F2B, s0  }
0xbd: {  	[sflag:s0] =	ssyncadd.remote.s32 $0x1  }
0xbe: {  	_ =	sfence.sel $0xFFFF  }
0xbf: {  	[dreg:$0x0] =	wrdreg $0xFFFFFFFF;
	(pc) =	sbr.abs _section_cstart, $3  }
0xc0: {  	[dreg:$0x1] =	wrdreg $0xFFFFFFFF  }
0xc1: {  	_ =	task.clear_ibuf [dreg:s7], $0x2FFFF;
	_ =	strace $0x9FFFFFFF  }
0xc2: {  	(tm) =	ssettm $0x7FFFFFFF  }
0xc3: {  	_ =	shalt  }
tec
execute0_lowered:
.L_overlay_start_1:
0x0: {  	(tag) =	ssettag $0x1  }
0x1: {  	s0 =	rddreg [dreg:$0x0]  }
0x2: {  	s1 =	rddreg [dreg:$0x1];
	s3 =	srdreg.scid;
	s2 =	simm.s32 $0x0  }
0x3: {  	s4 =	stileid.u32;
	s15 =	simm.s32 $0x2;
	s16 =	simm.s32 $0x80  }
0x4: {  	s26 =	simm.s32 $0x1;
	s29 =	simm.s32 $0x3880;
	s30 =	simm.s32 $0x5880  }
0x5: {  	s31 =	simm.s32 $0x7880;
	s14 =	simm.s32 $0xF880;
	s17 =	simm.s32 $0x1C80  }
0x6: {  	s18 =	simm.s32 $0x3C80;
	s19 =	simm.s32 $0x5C80;
	s20 =	simm.s32 $0x7C80  }
0x7: {  	s21 =	simm.s32 $0x9C80;
	s22 =	simm.s32 $0xBC80;
	s23 =	simm.s32 $0xDC80  }
0x8: {  	s24 =	simm.s32 $0xFC80;
	s3 =	sand.u32 $0x1, s3;
	[smem:$0x7FF] =	sst s2  }
0x9: {  	s4 =	sshll.u32 s4, $0x8;
	s9 =	sadd.s32 $0x980, s1;
	s10 =	sadd.s32 $0xA00, s1  }
0xa: {  	s11 =	sadd.s32 $0xA80, s1;
	s12 =	sadd.s32 $0xB00, s1;
	s13 =	sadd.s32 $0xB80, s1  }
0xb: {  	s5 =	sshll.u32 s3, $0x7;
	_ =	strace $0x80000047;
	s6 =	ssub.s32 $0x2, s3  }
0xc: {  	s3 =	sor.u32 s5, s4;
	s4 =	sadd.s32 $0x800, s1;
	s7 =	sshrl.u32 s6, $0x1  }
0xd: {  	s5 =	sadd.s32 $0xC35800, s1;
	s8 =	sshrl.u32 s3, $0x3;
	s6 =	ssub.s32 s6, s7  }
0xe: {  	v2 =	vlaneseq.u32;
	s7 =	sadd.s32 $0x880, s1;
	s0 =	sadd.s32 s0, s8;
	s8 =	sadd.s32 $0x900, s1  }
0xf: {  	vm0 =	vmmov $0xff;
	v1 =	vshrl.u32 v2, $0x3;
	s28 =	smax.u32 s6, $0x1;
	s1 =	simm.s32 $0xB880;
	[dreg:$0x3] =	wrdreg s0  }
0x10: {  	v0 =	vand.u32 $0x7, v2;
	v2 =	vor.u32 $0x8, v2;
	v1 =	vmul.u32 $0x8, v1;
	s6 =	simm.s32 $0xD880;
	[dreg:$0x4] =	wrdreg s28;
	s0 =	simm.s32 $0x0  }
.LBB2_1:
0x11: {  	[dreg:$0x5] =	wrdreg s0  }
0x12: {  	s28 =	rddreg [dreg:$0x3]  }
0x13: {  	[tilespmem:s2], [sflag:$0x2] =	stream.linear.gather [hbm4b:s28+s2], $0x80, $0x38;
	[tilespmem:$0x10080] =	vst v63  }
0x14: {  	_ =	swait.ge [sflag:s15], $0x80  }
0x15: {  	p0 =	por $0x1, $0x1;
	[sflag:s15] =	ssyncset.done $0x0  }
0x16: {  	s0 =	simm.s32 $0x9880;
	s28 =	simm.s32 $0x0;
	[sflag:s15] =	ssyncadd.s32 $0xFFFFFF80  }
.LBB2_2:
0x17: {  	v3 =	vld [tilespmem:s28+$0x0];
	_ =	sdelay $0x4  }
0x18: {  	v4 =	vshll.u32 v3, $0x3  }
0x19: {  	v3 =	vand.u32 $0x7, v3;
	v4 =	vand.u32 $0xFFFFFFC0, v4  }
0x1a: {  	v3 =	vor.u32 v3, v4  }
0x1b: {  	v4 =	vperm.xlane v3, v0;
	_ =	sdelay $0x1  }
0x1c: {  	v3 =	vperm.xlane v3, v2;
	v4 =	vadd.s32 v1, v4;
	_ =	sdelay $0x1  }
0x1d: {  	v3 =	vadd.s32 v1, v3;
	_ =	sdelay $0x2  }
0x1e: {  	[tilespmem:s16], [sflag:$0x1] =	stream.indirect_vreg.gather [hbm4b:s4+s2], $0x80, v4, vm0, $0xb8;
	[tilespmem:$0x10080] =	vst v63  }
0x1f: {  	s25 =	simm.s32 $0x2080  }
0x20: {  	[tilespmem:s25], [sflag:$0x1] =	stream.indirect_vreg.gather [hbm4b:s4+s2], $0x80, v3, vm0, $0xb8;
	[tilespmem:$0x10080] =	vst v63  }
0x21: {  	v3 =	vld [tilespmem:s28+$0x10];
	_ =	sdelay $0x4  }
0x22: {  	v33 =	vshll.u32 v3, $0x3  }
0x23: {  	v3 =	vand.u32 $0x7, v3;
	v4 =	vand.u32 $0xFFFFFFC0, v33  }
0x24: {  	v3 =	vor.u32 v3, v4  }
0x25: {  	v4 =	vperm.xlane v3, v0;
	_ =	sdelay $0x1  }
0x26: {  	v3 =	vperm.xlane v3, v2;
	v4 =	vadd.s32 v1, v4;
	_ =	sdelay $0x1  }
0x27: {  	v3 =	vadd.s32 v1, v3;
	_ =	sdelay $0x1  }
0x28: {  	s25 =	simm.s32 $0x4080  }
0x29: {  	[tilespmem:s25], [sflag:$0x1] =	stream.indirect_vreg.gather [hbm4b:s4+s2], $0x80, v4, vm0, $0xb8;
	[tilespmem:$0x10080] =	vst v63  }
0x2a: {  	s25 =	simm.s32 $0x6080  }
0x2b: {  	[tilespmem:s25], [sflag:$0x1] =	stream.indirect_vreg.gather [hbm4b:s4+s2], $0x80, v3, vm0, $0xb8;
	[tilespmem:$0x10080] =	vst v63  }
0x2c: {  	v3 =	vld [tilespmem:s28+$0x20];
	_ =	sdelay $0x4  }
0x2d: {  	v34 =	vshll.u32 v3, $0x3  }
0x2e: {  	v3 =	vand.u32 $0x7, v3;
	v4 =	vand.u32 $0xFFFFFFC0, v34  }
0x2f: {  	v3 =	vor.u32 v3, v4  }
0x30: {  	v4 =	vperm.xlane v3, v0;
	_ =	sdelay $0x1  }
0x31: {  	v3 =	vperm.xlane v3, v2;
	v4 =	vadd.s32 v1, v4;
	_ =	sdelay $0x1  }
0x32: {  	v3 =	vadd.s32 v1, v3;
	_ =	sdelay $0x1  }
0x33: {  	s25 =	simm.s32 $0x8080  }
0x34: {  	[tilespmem:s25], [sflag:$0x1] =	stream.indirect_vreg.gather [hbm4b:s4+s2], $0x80, v4, vm0, $0xb8;
	[tilespmem:$0x10080] =	vst v63  }
0x35: {  	s25 =	simm.s32 $0xA080  }
0x36: {  	[tilespmem:s25], [sflag:$0x1] =	stream.indirect_vreg.gather [hbm4b:s4+s2], $0x80, v3, vm0, $0xb8;
	[tilespmem:$0x10080] =	vst v63  }
0x37: {  	v3 =	vld [tilespmem:s28+$0x30];
	_ =	sdelay $0x4  }
0x38: {  	v35 =	vshll.u32 v3, $0x3  }
0x39: {  	v3 =	vand.u32 $0x7, v3;
	v4 =	vand.u32 $0xFFFFFFC0, v35  }
0x3a: {  	v3 =	vor.u32 v3, v4  }
0x3b: {  	v4 =	vperm.xlane v3, v0;
	_ =	sdelay $0x1  }
0x3c: {  	v3 =	vperm.xlane v3, v2;
	v4 =	vadd.s32 v1, v4;
	_ =	sdelay $0x1  }
0x3d: {  	v3 =	vadd.s32 v1, v3;
	_ =	sdelay $0x1  }
0x3e: {  	s25 =	simm.s32 $0xC080  }
0x3f: {  	[tilespmem:s25], [sflag:$0x1] =	stream.indirect_vreg.gather [hbm4b:s4+s2], $0x80, v4, vm0, $0xb8;
	[tilespmem:$0x10080] =	vst v63  }
0x40: {  	s25 =	simm.s32 $0xE080  }
0x41: {  	[tilespmem:s25], [sflag:$0x1] =	stream.indirect_vreg.gather [hbm4b:s4+s2], $0x80, v3, vm0, $0xb8;
	[tilespmem:$0x10080] =	vst v63  }
0x42: {  	v3 =	vld [tilespmem:s28+$0x0];
	_ =	sdelay $0x4  }
0x43: {  	v36 =	vshll.u32 v3, $0x3  }
0x44: {  	v3 =	vand.u32 $0x7, v3;
	v4 =	vand.u32 $0xFFFFFFC0, v36  }
0x45: {  	v3 =	vor.u32 v3, v4  }
0x46: {  	v4 =	vperm.xlane v3, v0;
	_ =	sdelay $0x1  }
0x47: {  	v3 =	vperm.xlane v3, v2;
	v4 =	vadd.s32 v1, v4;
	_ =	sdelay $0x1  }
0x48: {  	v3 =	vadd.s32 v1, v3;
	_ =	sdelay $0x1  }
0x49: {  	s25 =	simm.s32 $0x480  }
0x4a: {  	[tilespmem:s25], [sflag:$0x1] =	stream.indirect_vreg.gather [hbm4b:s7+s2], $0x80, v4, vm0, $0xb8;
	[tilespmem:$0x10080] =	vst v63  }
0x4b: {  	s25 =	simm.s32 $0x2480  }
0x4c: {  	[tilespmem:s25], [sflag:$0x1] =	stream.indirect_vreg.gather [hbm4b:s7+s2], $0x80, v3, vm0, $0xb8;
	[tilespmem:$0x10080] =	vst v63  }
0x4d: {  	v3 =	vld [tilespmem:s28+$0x10];
	_ =	sdelay $0x4  }
0x4e: {  	v37 =	vshll.u32 v3, $0x3  }
0x4f: {  	v3 =	vand.u32 $0x7, v3;
	v4 =	vand.u32 $0xFFFFFFC0, v37  }
0x50: {  	v3 =	vor.u32 v3, v4  }
0x51: {  	v4 =	vperm.xlane v3, v0;
	_ =	sdelay $0x1  }
0x52: {  	v3 =	vperm.xlane v3, v2;
	v4 =	vadd.s32 v1, v4;
	_ =	sdelay $0x1  }
0x53: {  	v3 =	vadd.s32 v1, v3;
	_ =	sdelay $0x1  }
0x54: {  	s25 =	simm.s32 $0x4480  }
0x55: {  	[tilespmem:s25], [sflag:$0x1] =	stream.indirect_vreg.gather [hbm4b:s7+s2], $0x80, v4, vm0, $0xb8;
	[tilespmem:$0x10080] =	vst v63  }
0x56: {  	s25 =	simm.s32 $0x6480  }
0x57: {  	[tilespmem:s25], [sflag:$0x1] =	stream.indirect_vreg.gather [hbm4b:s7+s2], $0x80, v3, vm0, $0xb8;
	[tilespmem:$0x10080] =	vst v63  }
0x58: {  	v3 =	vld [tilespmem:s28+$0x20];
	_ =	sdelay $0x4  }
0x59: {  	v38 =	vshll.u32 v3, $0x3  }
0x5a: {  	v3 =	vand.u32 $0x7, v3;
	v4 =	vand.u32 $0xFFFFFFC0, v38  }
0x5b: {  	v3 =	vor.u32 v3, v4  }
0x5c: {  	v4 =	vperm.xlane v3, v0;
	_ =	sdelay $0x1  }
0x5d: {  	v3 =	vperm.xlane v3, v2;
	v4 =	vadd.s32 v1, v4;
	_ =	sdelay $0x1  }
0x5e: {  	v3 =	vadd.s32 v1, v3;
	_ =	sdelay $0x1  }
0x5f: {  	s25 =	simm.s32 $0x8480  }
0x60: {  	[tilespmem:s25], [sflag:$0x1] =	stream.indirect_vreg.gather [hbm4b:s7+s2], $0x80, v4, vm0, $0xb8;
	[tilespmem:$0x10080] =	vst v63  }
0x61: {  	s25 =	simm.s32 $0xA480  }
0x62: {  	[tilespmem:s25], [sflag:$0x1] =	stream.indirect_vreg.gather [hbm4b:s7+s2], $0x80, v3, vm0, $0xb8;
	[tilespmem:$0x10080] =	vst v63  }
0x63: {  	v3 =	vld [tilespmem:s28+$0x30];
	_ =	sdelay $0x4  }
0x64: {  	v39 =	vshll.u32 v3, $0x3  }
0x65: {  	v3 =	vand.u32 $0x7, v3;
	v4 =	vand.u32 $0xFFFFFFC0, v39  }
0x66: {  	v3 =	vor.u32 v3, v4  }
0x67: {  	v4 =	vperm.xlane v3, v0;
	_ =	sdelay $0x1  }
0x68: {  	v3 =	vperm.xlane v3, v2;
	v4 =	vadd.s32 v1, v4;
	_ =	sdelay $0x1  }
0x69: {  	v3 =	vadd.s32 v1, v3;
	_ =	sdelay $0x1  }
0x6a: {  	s25 =	simm.s32 $0xC480  }
0x6b: {  	[tilespmem:s25], [sflag:$0x1] =	stream.indirect_vreg.gather [hbm4b:s7+s2], $0x80, v4, vm0, $0xb8;
	[tilespmem:$0x10080] =	vst v63  }
0x6c: {  	s25 =	simm.s32 $0xE480  }
0x6d: {  	[tilespmem:s25], [sflag:$0x1] =	stream.indirect_vreg.gather [hbm4b:s7+s2], $0x80, v3, vm0, $0xb8;
	[tilespmem:$0x10080] =	vst v63  }
0x6e: {  	v3 =	vld [tilespmem:s28+$0x0];
	_ =	sdelay $0x4  }
0x6f: {  	v40 =	vshll.u32 v3, $0x3  }
0x70: {  	v3 =	vand.u32 $0x7, v3;
	v4 =	vand.u32 $0xFFFFFFC0, v40  }
0x71: {  	v3 =	vor.u32 v3, v4  }
0x72: {  	v4 =	vperm.xlane v3, v0;
	_ =	sdelay $0x1  }
0x73: {  	v3 =	vperm.xlane v3, v2;
	v4 =	vadd.s32 v1, v4;
	_ =	sdelay $0x1  }
0x74: {  	v3 =	vadd.s32 v1, v3;
	_ =	sdelay $0x1  }
0x75: {  	s25 =	simm.s32 $0x880  }
0x76: {  	[tilespmem:s25], [sflag:$0x1] =	stream.indirect_vreg.gather [hbm4b:s8+s2], $0x80, v4, vm0, $0xb8;
	[tilespmem:$0x10080] =	vst v63  }
0x77: {  	s25 =	simm.s32 $0x2880  }
0x78: {  	[tilespmem:s25], [sflag:$0x1] =	stream.indirect_vreg.gather [hbm4b:s8+s2], $0x80, v3, vm0, $0xb8;
	[tilespmem:$0x10080] =	vst v63  }
0x79: {  	v3 =	vld [tilespmem:s28+$0x10];
	_ =	sdelay $0x4  }
0x7a: {  	v41 =	vshll.u32 v3, $0x3  }
0x7b: {  	v3 =	vand.u32 $0x7, v3;
	v4 =	vand.u32 $0xFFFFFFC0, v41  }
0x7c: {  	v3 =	vor.u32 v3, v4  }
0x7d: {  	v4 =	vperm.xlane v3, v0;
	_ =	sdelay $0x1  }
0x7e: {  	v3 =	vperm.xlane v3, v2;
	v4 =	vadd.s32 v1, v4;
	_ =	sdelay $0x1  }
0x7f: {  	v3 =	vadd.s32 v1, v3;
	_ =	sdelay $0x1  }
0x80: {  	s25 =	simm.s32 $0x4880  }
0x81: {  	[tilespmem:s25], [sflag:$0x1] =	stream.indirect_vreg.gather [hbm4b:s8+s2], $0x80, v4, vm0, $0xb8;
	[tilespmem:$0x10080] =	vst v63  }
0x82: {  	s25 =	simm.s32 $0x6880  }
0x83: {  	[tilespmem:s25], [sflag:$0x1] =	stream.indirect_vreg.gather [hbm4b:s8+s2], $0x80, v3, vm0, $0xb8;
	[tilespmem:$0x10080] =	vst v63  }
0x84: {  	v3 =	vld [tilespmem:s28+$0x20];
	_ =	sdelay $0x4  }
0x85: {  	v42 =	vshll.u32 v3, $0x3  }
0x86: {  	v3 =	vand.u32 $0x7, v3;
	v4 =	vand.u32 $0xFFFFFFC0, v42  }
0x87: {  	v3 =	vor.u32 v3, v4  }
0x88: {  	v4 =	vperm.xlane v3, v0;
	_ =	sdelay $0x1  }
0x89: {  	v3 =	vperm.xlane v3, v2;
	v4 =	vadd.s32 v1, v4;
	_ =	sdelay $0x1  }
0x8a: {  	v3 =	vadd.s32 v1, v3;
	_ =	sdelay $0x1  }
0x8b: {  	s25 =	simm.s32 $0x8880  }
0x8c: {  	[tilespmem:s25], [sflag:$0x1] =	stream.indirect_vreg.gather [hbm4b:s8+s2], $0x80, v4, vm0, $0xb8;
	[tilespmem:$0x10080] =	vst v63  }
0x8d: {  	s25 =	simm.s32 $0xA880  }
0x8e: {  	[tilespmem:s25], [sflag:$0x1] =	stream.indirect_vreg.gather [hbm4b:s8+s2], $0x80, v3, vm0, $0xb8;
	[tilespmem:$0x10080] =	vst v63  }
0x8f: {  	v3 =	vld [tilespmem:s28+$0x30];
	_ =	sdelay $0x4  }
0x90: {  	v43 =	vshll.u32 v3, $0x3  }
0x91: {  	v3 =	vand.u32 $0x7, v3;
	v4 =	vand.u32 $0xFFFFFFC0, v43  }
0x92: {  	v3 =	vor.u32 v3, v4  }
0x93: {  	v4 =	vperm.xlane v3, v0;
	_ =	sdelay $0x1  }
0x94: {  	v3 =	vperm.xlane v3, v2;
	v4 =	vadd.s32 v1, v4;
	_ =	sdelay $0x1  }
0x95: {  	v3 =	vadd.s32 v1, v3;
	_ =	sdelay $0x1  }
0x96: {  	s25 =	simm.s32 $0xC880  }
0x97: {  	[tilespmem:s25], [sflag:$0x1] =	stream.indirect_vreg.gather [hbm4b:s8+s2], $0x80, v4, vm0, $0xb8;
	[tilespmem:$0x10080] =	vst v63  }
0x98: {  	s25 =	simm.s32 $0xE880  }
0x99: {  	[tilespmem:s25], [sflag:$0x1] =	stream.indirect_vreg.gather [hbm4b:s8+s2], $0x80, v3, vm0, $0xb8;
	[tilespmem:$0x10080] =	vst v63  }
0x9a: {  	v3 =	vld [tilespmem:s28+$0x0];
	_ =	sdelay $0x4  }
0x9b: {  	v44 =	vshll.u32 v3, $0x3  }
0x9c: {  	v3 =	vand.u32 $0x7, v3;
	v4 =	vand.u32 $0xFFFFFFC0, v44  }
0x9d: {  	v3 =	vor.u32 v3, v4  }
0x9e: {  	v4 =	vperm.xlane v3, v0;
	_ =	sdelay $0x1  }
0x9f: {  	v3 =	vperm.xlane v3, v2;
	v4 =	vadd.s32 v1, v4;
	_ =	sdelay $0x1  }
0xa0: {  	v3 =	vadd.s32 v1, v3;
	_ =	sdelay $0x1  }
0xa1: {  	s25 =	simm.s32 $0xC80  }
0xa2: {  	[tilespmem:s25], [sflag:$0x1] =	stream.indirect_vreg.gather [hbm4b:s9+s2], $0x80, v4, vm0, $0xb8;
	[tilespmem:$0x10080] =	vst v63  }
0xa3: {  	s25 =	simm.s32 $0x2C80  }
0xa4: {  	[tilespmem:s25], [sflag:$0x1] =	stream.indirect_vreg.gather [hbm4b:s9+s2], $0x80, v3, vm0, $0xb8;
	[tilespmem:$0x10080] =	vst v63  }
0xa5: {  	v3 =	vld [tilespmem:s28+$0x10];
	_ =	sdelay $0x4  }
0xa6: {  	v45 =	vshll.u32 v3, $0x3  }
0xa7: {  	v3 =	vand.u32 $0x7, v3;
	v4 =	vand.u32 $0xFFFFFFC0, v45  }
0xa8: {  	v3 =	vor.u32 v3, v4  }
0xa9: {  	v4 =	vperm.xlane v3, v0;
	_ =	sdelay $0x1  }
0xaa: {  	v3 =	vperm.xlane v3, v2;
	v4 =	vadd.s32 v1, v4;
	_ =	sdelay $0x1  }
0xab: {  	v3 =	vadd.s32 v1, v3;
	_ =	sdelay $0x1  }
0xac: {  	s25 =	simm.s32 $0x4C80  }
0xad: {  	[tilespmem:s25], [sflag:$0x1] =	stream.indirect_vreg.gather [hbm4b:s9+s2], $0x80, v4, vm0, $0xb8;
	[tilespmem:$0x10080] =	vst v63  }
0xae: {  	s25 =	simm.s32 $0x6C80  }
0xaf: {  	[tilespmem:s25], [sflag:$0x1] =	stream.indirect_vreg.gather [hbm4b:s9+s2], $0x80, v3, vm0, $0xb8;
	[tilespmem:$0x10080] =	vst v63  }
0xb0: {  	v3 =	vld [tilespmem:s28+$0x20];
	_ =	sdelay $0x4  }
0xb1: {  	v46 =	vshll.u32 v3, $0x3  }
0xb2: {  	v3 =	vand.u32 $0x7, v3;
	v4 =	vand.u32 $0xFFFFFFC0, v46  }
0xb3: {  	v3 =	vor.u32 v3, v4  }
0xb4: {  	v4 =	vperm.xlane v3, v0;
	_ =	sdelay $0x1  }
0xb5: {  	v3 =	vperm.xlane v3, v2;
	v4 =	vadd.s32 v1, v4;
	_ =	sdelay $0x1  }
0xb6: {  	v3 =	vadd.s32 v1, v3;
	_ =	sdelay $0x1  }
0xb7: {  	s25 =	simm.s32 $0x8C80  }
0xb8: {  	[tilespmem:s25], [sflag:$0x1] =	stream.indirect_vreg.gather [hbm4b:s9+s2], $0x80, v4, vm0, $0xb8;
	[tilespmem:$0x10080] =	vst v63  }
0xb9: {  	s25 =	simm.s32 $0xAC80  }
0xba: {  	[tilespmem:s25], [sflag:$0x1] =	stream.indirect_vreg.gather [hbm4b:s9+s2], $0x80, v3, vm0, $0xb8;
	[tilespmem:$0x10080] =	vst v63  }
0xbb: {  	v3 =	vld [tilespmem:s28+$0x30];
	_ =	sdelay $0x4  }
0xbc: {  	v47 =	vshll.u32 v3, $0x3  }
0xbd: {  	v3 =	vand.u32 $0x7, v3;
	v4 =	vand.u32 $0xFFFFFFC0, v47  }
0xbe: {  	v3 =	vor.u32 v3, v4  }
0xbf: {  	v4 =	vperm.xlane v3, v0;
	_ =	sdelay $0x1  }
0xc0: {  	v3 =	vperm.xlane v3, v2;
	v4 =	vadd.s32 v1, v4;
	_ =	sdelay $0x1  }
0xc1: {  	v3 =	vadd.s32 v1, v3;
	_ =	sdelay $0x1  }
0xc2: {  	s25 =	simm.s32 $0xCC80  }
0xc3: {  	[tilespmem:s25], [sflag:$0x1] =	stream.indirect_vreg.gather [hbm4b:s9+s2], $0x80, v4, vm0, $0xb8;
	[tilespmem:$0x10080] =	vst v63  }
0xc4: {  	s25 =	simm.s32 $0xEC80  }
0xc5: {  	[tilespmem:s25], [sflag:$0x1] =	stream.indirect_vreg.gather [hbm4b:s9+s2], $0x80, v3, vm0, $0xb8;
	[tilespmem:$0x10080] =	vst v63  }
0xc6: {  	v3 =	vld [tilespmem:s28+$0x0];
	_ =	sdelay $0x4  }
0xc7: {  	v48 =	vshll.u32 v3, $0x3  }
0xc8: {  	v3 =	vand.u32 $0x7, v3;
	v4 =	vand.u32 $0xFFFFFFC0, v48  }
0xc9: {  	v3 =	vor.u32 v3, v4  }
0xca: {  	v4 =	vperm.xlane v3, v0;
	_ =	sdelay $0x1  }
0xcb: {  	v3 =	vperm.xlane v3, v2;
	v4 =	vadd.s32 v1, v4;
	_ =	sdelay $0x1  }
0xcc: {  	v3 =	vadd.s32 v1, v3;
	_ =	sdelay $0x1  }
0xcd: {  	s25 =	simm.s32 $0x1080  }
0xce: {  	[tilespmem:s25], [sflag:$0x1] =	stream.indirect_vreg.gather [hbm4b:s10+s2], $0x80, v4, vm0, $0xb8;
	[tilespmem:$0x10080] =	vst v63  }
0xcf: {  	s25 =	simm.s32 $0x3080  }
0xd0: {  	[tilespmem:s25], [sflag:$0x1] =	stream.indirect_vreg.gather [hbm4b:s10+s2], $0x80, v3, vm0, $0xb8;
	[tilespmem:$0x10080] =	vst v63  }
0xd1: {  	v3 =	vld [tilespmem:s28+$0x10];
	_ =	sdelay $0x4  }
0xd2: {  	v49 =	vshll.u32 v3, $0x3  }
0xd3: {  	v3 =	vand.u32 $0x7, v3;
	v4 =	vand.u32 $0xFFFFFFC0, v49  }
0xd4: {  	v3 =	vor.u32 v3, v4  }
0xd5: {  	v4 =	vperm.xlane v3, v0;
	_ =	sdelay $0x1  }
0xd6: {  	v3 =	vperm.xlane v3, v2;
	v4 =	vadd.s32 v1, v4;
	_ =	sdelay $0x1  }
0xd7: {  	v3 =	vadd.s32 v1, v3;
	_ =	sdelay $0x1  }
0xd8: {  	s25 =	simm.s32 $0x5080  }
0xd9: {  	[tilespmem:s25], [sflag:$0x1] =	stream.indirect_vreg.gather [hbm4b:s10+s2], $0x80, v4, vm0, $0xb8;
	[tilespmem:$0x10080] =	vst v63  }
0xda: {  	s25 =	simm.s32 $0x7080  }
0xdb: {  	[tilespmem:s25], [sflag:$0x1] =	stream.indirect_vreg.gather [hbm4b:s10+s2], $0x80, v3, vm0, $0xb8;
	[tilespmem:$0x10080] =	vst v63  }
0xdc: {  	v3 =	vld [tilespmem:s28+$0x20];
	_ =	sdelay $0x4  }
0xdd: {  	v50 =	vshll.u32 v3, $0x3  }
0xde: {  	v3 =	vand.u32 $0x7, v3;
	v4 =	vand.u32 $0xFFFFFFC0, v50  }
0xdf: {  	v3 =	vor.u32 v3, v4  }
0xe0: {  	v4 =	vperm.xlane v3, v0;
	_ =	sdelay $0x1  }
0xe1: {  	v3 =	vperm.xlane v3, v2;
	v4 =	vadd.s32 v1, v4;
	_ =	sdelay $0x1  }
0xe2: {  	v3 =	vadd.s32 v1, v3;
	_ =	sdelay $0x1  }
0xe3: {  	s25 =	simm.s32 $0x9080  }
0xe4: {  	[tilespmem:s25], [sflag:$0x1] =	stream.indirect_vreg.gather [hbm4b:s10+s2], $0x80, v4, vm0, $0xb8;
	[tilespmem:$0x10080] =	vst v63  }
0xe5: {  	s25 =	simm.s32 $0xB080  }
0xe6: {  	[tilespmem:s25], [sflag:$0x1] =	stream.indirect_vreg.gather [hbm4b:s10+s2], $0x80, v3, vm0, $0xb8;
	[tilespmem:$0x10080] =	vst v63  }
0xe7: {  	v3 =	vld [tilespmem:s28+$0x30];
	_ =	sdelay $0x4  }
0xe8: {  	v51 =	vshll.u32 v3, $0x3  }
0xe9: {  	v3 =	vand.u32 $0x7, v3;
	v4 =	vand.u32 $0xFFFFFFC0, v51  }
0xea: {  	v3 =	vor.u32 v3, v4  }
0xeb: {  	v4 =	vperm.xlane v3, v0;
	_ =	sdelay $0x1  }
0xec: {  	v3 =	vperm.xlane v3, v2;
	v4 =	vadd.s32 v1, v4;
	_ =	sdelay $0x1  }
0xed: {  	v3 =	vadd.s32 v1, v3;
	_ =	sdelay $0x1  }
0xee: {  	s25 =	simm.s32 $0xD080  }
0xef: {  	[tilespmem:s25], [sflag:$0x1] =	stream.indirect_vreg.gather [hbm4b:s10+s2], $0x80, v4, vm0, $0xb8;
	[tilespmem:$0x10080] =	vst v63  }
0xf0: {  	s25 =	simm.s32 $0xF080  }
0xf1: {  	[tilespmem:s25], [sflag:$0x1] =	stream.indirect_vreg.gather [hbm4b:s10+s2], $0x80, v3, vm0, $0xb8;
	[tilespmem:$0x10080] =	vst v63  }
0xf2: {  	v3 =	vld [tilespmem:s28+$0x0];
	_ =	sdelay $0x4  }
0xf3: {  	v52 =	vshll.u32 v3, $0x3  }
0xf4: {  	v3 =	vand.u32 $0x7, v3;
	v4 =	vand.u32 $0xFFFFFFC0, v52  }
0xf5: {  	v3 =	vor.u32 v3, v4  }
0xf6: {  	v4 =	vperm.xlane v3, v0;
	_ =	sdelay $0x1  }
0xf7: {  	v3 =	vperm.xlane v3, v2;
	v4 =	vadd.s32 v1, v4;
	_ =	sdelay $0x1  }
0xf8: {  	v3 =	vadd.s32 v1, v3;
	_ =	sdelay $0x1  }
0xf9: {  	s25 =	simm.s32 $0x1480  }
0xfa: {  	[tilespmem:s25], [sflag:$0x1] =	stream.indirect_vreg.gather [hbm4b:s11+s2], $0x80, v4, vm0, $0xb8;
	[tilespmem:$0x10080] =	vst v63  }
0xfb: {  	s25 =	simm.s32 $0x3480  }
0xfc: {  	[tilespmem:s25], [sflag:$0x1] =	stream.indirect_vreg.gather [hbm4b:s11+s2], $0x80, v3, vm0, $0xb8;
	[tilespmem:$0x10080] =	vst v63  }
0xfd: {  	v3 =	vld [tilespmem:s28+$0x10];
	_ =	sdelay $0x4  }
0xfe: {  	v53 =	vshll.u32 v3, $0x3  }
0xff: {  	v3 =	vand.u32 $0x7, v3;
	v4 =	vand.u32 $0xFFFFFFC0, v53  }
0x100: {  	v3 =	vor.u32 v3, v4  }
0x101: {  	v4 =	vperm.xlane v3, v0;
	_ =	sdelay $0x1  }
0x102: {  	v3 =	vperm.xlane v3, v2;
	v4 =	vadd.s32 v1, v4;
	_ =	sdelay $0x1  }
0x103: {  	v3 =	vadd.s32 v1, v3;
	_ =	sdelay $0x1  }
0x104: {  	s25 =	simm.s32 $0x5480  }
0x105: {  	[tilespmem:s25], [sflag:$0x1] =	stream.indirect_vreg.gather [hbm4b:s11+s2], $0x80, v4, vm0, $0xb8;
	[tilespmem:$0x10080] =	vst v63  }
0x106: {  	s25 =	simm.s32 $0x7480  }
0x107: {  	[tilespmem:s25], [sflag:$0x1] =	stream.indirect_vreg.gather [hbm4b:s11+s2], $0x80, v3, vm0, $0xb8;
	[tilespmem:$0x10080] =	vst v63  }
0x108: {  	v3 =	vld [tilespmem:s28+$0x20];
	_ =	sdelay $0x4  }
0x109: {  	v54 =	vshll.u32 v3, $0x3  }
0x10a: {  	v3 =	vand.u32 $0x7, v3;
	v4 =	vand.u32 $0xFFFFFFC0, v54  }
0x10b: {  	v3 =	vor.u32 v3, v4  }
0x10c: {  	v4 =	vperm.xlane v3, v0;
	_ =	sdelay $0x1  }
0x10d: {  	v3 =	vperm.xlane v3, v2;
	v4 =	vadd.s32 v1, v4;
	_ =	sdelay $0x1  }
0x10e: {  	v3 =	vadd.s32 v1, v3;
	_ =	sdelay $0x1  }
0x10f: {  	s25 =	simm.s32 $0x9480  }
0x110: {  	[tilespmem:s25], [sflag:$0x1] =	stream.indirect_vreg.gather [hbm4b:s11+s2], $0x80, v4, vm0, $0xb8;
	[tilespmem:$0x10080] =	vst v63  }
0x111: {  	s25 =	simm.s32 $0xB480  }
0x112: {  	[tilespmem:s25], [sflag:$0x1] =	stream.indirect_vreg.gather [hbm4b:s11+s2], $0x80, v3, vm0, $0xb8;
	[tilespmem:$0x10080] =	vst v63  }
0x113: {  	v3 =	vld [tilespmem:s28+$0x30];
	_ =	sdelay $0x4  }
0x114: {  	v55 =	vshll.u32 v3, $0x3  }
0x115: {  	v3 =	vand.u32 $0x7, v3;
	v4 =	vand.u32 $0xFFFFFFC0, v55  }
0x116: {  	v3 =	vor.u32 v3, v4  }
0x117: {  	v4 =	vperm.xlane v3, v0;
	_ =	sdelay $0x1  }
0x118: {  	v3 =	vperm.xlane v3, v2;
	v4 =	vadd.s32 v1, v4;
	_ =	sdelay $0x1  }
0x119: {  	v3 =	vadd.s32 v1, v3;
	_ =	sdelay $0x1  }
0x11a: {  	s25 =	simm.s32 $0xD480  }
0x11b: {  	[tilespmem:s25], [sflag:$0x1] =	stream.indirect_vreg.gather [hbm4b:s11+s2], $0x80, v4, vm0, $0xb8;
	[tilespmem:$0x10080] =	vst v63  }
0x11c: {  	s25 =	simm.s32 $0xF480  }
0x11d: {  	[tilespmem:s25], [sflag:$0x1] =	stream.indirect_vreg.gather [hbm4b:s11+s2], $0x80, v3, vm0, $0xb8;
	[tilespmem:$0x10080] =	vst v63  }
0x11e: {  	v3 =	vld [tilespmem:s28+$0x0];
	_ =	sdelay $0x4  }
0x11f: {  	v56 =	vshll.u32 v3, $0x3  }
0x120: {  	v3 =	vand.u32 $0x7, v3;
	v4 =	vand.u32 $0xFFFFFFC0, v56  }
0x121: {  	v3 =	vor.u32 v3, v4  }
0x122: {  	v4 =	vperm.xlane v3, v0;
	_ =	sdelay $0x1  }
0x123: {  	v3 =	vperm.xlane v3, v2;
	v4 =	vadd.s32 v1, v4;
	_ =	sdelay $0x1  }
0x124: {  	v3 =	vadd.s32 v1, v3;
	_ =	sdelay $0x1  }
0x125: {  	s25 =	simm.s32 $0x1880  }
0x126: {  	[tilespmem:s25], [sflag:$0x1] =	stream.indirect_vreg.gather [hbm4b:s12+s2], $0x80, v4, vm0, $0xb8;
	[tilespmem:$0x10080] =	vst v63  }
0x127: {  	_ = 	snop  }
0x128: {  	[tilespmem:s29], [sflag:$0x1] =	stream.indirect_vreg.gather [hbm4b:s12+s2], $0x80, v3, vm0, $0xb8;
	[tilespmem:$0x10080] =	vst v63  }
0x129: {  	v3 =	vld [tilespmem:s28+$0x10];
	_ =	sdelay $0x4  }
0x12a: {  	v57 =	vshll.u32 v3, $0x3  }
0x12b: {  	v3 =	vand.u32 $0x7, v3;
	v4 =	vand.u32 $0xFFFFFFC0, v57  }
0x12c: {  	v3 =	vor.u32 v3, v4  }
0x12d: {  	v4 =	vperm.xlane v3, v0;
	_ =	sdelay $0x1  }
0x12e: {  	v3 =	vperm.xlane v3, v2;
	v4 =	vadd.s32 v1, v4;
	_ =	sdelay $0x1  }
0x12f: {  	v3 =	vadd.s32 v1, v3;
	_ =	sdelay $0x2  }
0x130: {  	[tilespmem:s30], [sflag:$0x1] =	stream.indirect_vreg.gather [hbm4b:s12+s2], $0x80, v4, vm0, $0xb8;
	[tilespmem:$0x10080] =	vst v63  }
0x131: {  	_ = 	snop  }
0x132: {  	[tilespmem:s31], [sflag:$0x1] =	stream.indirect_vreg.gather [hbm4b:s12+s2], $0x80, v3, vm0, $0xb8;
	[tilespmem:$0x10080] =	vst v63  }
0x133: {  	v3 =	vld [tilespmem:s28+$0x20];
	_ =	sdelay $0x4  }
0x134: {  	v58 =	vshll.u32 v3, $0x3  }
0x135: {  	v3 =	vand.u32 $0x7, v3;
	v4 =	vand.u32 $0xFFFFFFC0, v58  }
0x136: {  	v3 =	vor.u32 v3, v4  }
0x137: {  	v4 =	vperm.xlane v3, v0;
	_ =	sdelay $0x1  }
0x138: {  	v3 =	vperm.xlane v3, v2;
	v4 =	vadd.s32 v1, v4;
	_ =	sdelay $0x1  }
0x139: {  	v3 =	vadd.s32 v1, v3;
	_ =	sdelay $0x2  }
0x13a: {  	[tilespmem:s0], [sflag:$0x1] =	stream.indirect_vreg.gather [hbm4b:s12+s2], $0x80, v4, vm0, $0xb8;
	[tilespmem:$0x10080] =	vst v63  }
0x13b: {  	_ = 	snop  }
0x13c: {  	[tilespmem:s1], [sflag:$0x1] =	stream.indirect_vreg.gather [hbm4b:s12+s2], $0x80, v3, vm0, $0xb8;
	[tilespmem:$0x10080] =	vst v63  }
0x13d: {  	v3 =	vld [tilespmem:s28+$0x30];
	_ =	sdelay $0x4  }
0x13e: {  	v59 =	vshll.u32 v3, $0x3  }
0x13f: {  	v3 =	vand.u32 $0x7, v3;
	v4 =	vand.u32 $0xFFFFFFC0, v59  }
0x140: {  	v3 =	vor.u32 v3, v4  }
0x141: {  	v4 =	vperm.xlane v3, v0;
	_ =	sdelay $0x1  }
0x142: {  	v3 =	vperm.xlane v3, v2;
	v4 =	vadd.s32 v1, v4;
	_ =	sdelay $0x1  }
0x143: {  	v3 =	vadd.s32 v1, v3;
	_ =	sdelay $0x2  }
0x144: {  	[tilespmem:s6], [sflag:$0x1] =	stream.indirect_vreg.gather [hbm4b:s12+s2], $0x80, v4, vm0, $0xb8;
	[tilespmem:$0x10080] =	vst v63  }
0x145: {  	_ = 	snop  }
0x146: {  	[tilespmem:s14], [sflag:$0x1] =	stream.indirect_vreg.gather [hbm4b:s12+s2], $0x80, v3, vm0, $0xb8;
	[tilespmem:$0x10080] =	vst v63  }
0x147: {  	v3 =	vld [tilespmem:s28+$0x0];
	_ =	sdelay $0x4  }
0x148: {  	v60 =	vshll.u32 v3, $0x3  }
0x149: {  	v3 =	vand.u32 $0x7, v3;
	v4 =	vand.u32 $0xFFFFFFC0, v60  }
0x14a: {  	v3 =	vor.u32 v3, v4  }
0x14b: {  	v4 =	vperm.xlane v3, v0;
	_ =	sdelay $0x1  }
0x14c: {  	v3 =	vperm.xlane v3, v2;
	v4 =	vadd.s32 v1, v4;
	_ =	sdelay $0x1  }
0x14d: {  	v3 =	vadd.s32 v1, v3;
	_ =	sdelay $0x2  }
0x14e: {  	[tilespmem:s17], [sflag:$0x1] =	stream.indirect_vreg.gather [hbm4b:s13+s2], $0x80, v4, vm0, $0xb8;
	[tilespmem:$0x10080] =	vst v63  }
0x14f: {  	_ = 	snop  }
0x150: {  	[tilespmem:s18], [sflag:$0x1] =	stream.indirect_vreg.gather [hbm4b:s13+s2], $0x80, v3, vm0, $0xb8;
	[tilespmem:$0x10080] =	vst v63  }
0x151: {  	v3 =	vld [tilespmem:s28+$0x10];
	_ =	sdelay $0x4  }
0x152: {  	v61 =	vshll.u32 v3, $0x3  }
0x153: {  	v3 =	vand.u32 $0x7, v3;
	v4 =	vand.u32 $0xFFFFFFC0, v61  }
0x154: {  	v3 =	vor.u32 v3, v4  }
0x155: {  	v4 =	vperm.xlane v3, v0;
	_ =	sdelay $0x1  }
0x156: {  	v3 =	vperm.xlane v3, v2;
	v4 =	vadd.s32 v1, v4;
	_ =	sdelay $0x1  }
0x157: {  	v3 =	vadd.s32 v1, v3;
	_ =	sdelay $0x2  }
0x158: {  	[tilespmem:s19], [sflag:$0x1] =	stream.indirect_vreg.gather [hbm4b:s13+s2], $0x80, v4, vm0, $0xb8;
	[tilespmem:$0x10080] =	vst v63  }
0x159: {  	_ = 	snop  }
0x15a: {  	[tilespmem:s20], [sflag:$0x1] =	stream.indirect_vreg.gather [hbm4b:s13+s2], $0x80, v3, vm0, $0xb8;
	[tilespmem:$0x10080] =	vst v63  }
0x15b: {  	v3 =	vld [tilespmem:s28+$0x20];
	_ =	sdelay $0x4  }
0x15c: {  	v62 =	vshll.u32 v3, $0x3  }
0x15d: {  	v3 =	vand.u32 $0x7, v3;
	v4 =	vand.u32 $0xFFFFFFC0, v62  }
0x15e: {  	v3 =	vor.u32 v3, v4  }
0x15f: {  	v4 =	vperm.xlane v3, v0;
	_ =	sdelay $0x1  }
0x160: {  	v3 =	vperm.xlane v3, v2;
	v4 =	vadd.s32 v1, v4;
	_ =	sdelay $0x1  }
0x161: {  	v3 =	vadd.s32 v1, v3;
	_ =	sdelay $0x2  }
0x162: {  	[tilespmem:s21], [sflag:$0x1] =	stream.indirect_vreg.gather [hbm4b:s13+s2], $0x80, v4, vm0, $0xb8;
	[tilespmem:$0x10080] =	vst v63  }
0x163: {  	_ = 	snop  }
0x164: {  	[tilespmem:s22], [sflag:$0x1] =	stream.indirect_vreg.gather [hbm4b:s13+s2], $0x80, v3, vm0, $0xb8;
	[tilespmem:$0x10080] =	vst v63  }
0x165: {  	v3 =	vld [tilespmem:s28+$0x30];
	_ =	sdelay $0x4  }
0x166: {  	v63 =	vshll.u32 v3, $0x3  }
0x167: {  	v3 =	vand.u32 $0x7, v3;
	v4 =	vand.u32 $0xFFFFFFC0, v63  }
0x168: {  	v3 =	vor.u32 v3, v4  }
0x169: {  	v4 =	vperm.xlane v3, v0;
	_ =	sdelay $0x1  }
0x16a: {  	v3 =	vperm.xlane v3, v2;
	v4 =	vadd.s32 v1, v4;
	_ =	sdelay $0x1  }
0x16b: {  	v3 =	vadd.s32 v1, v3;
	_ =	sdelay $0x2  }
0x16c: {  	[tilespmem:s23], [sflag:$0x1] =	stream.indirect_vreg.gather [hbm4b:s13+s2], $0x80, v4, vm0, $0xb8;
	[tilespmem:$0x10080] =	vst v63  }
0x16d: {  	_ = 	snop  }
0x16e: {  	[tilespmem:s24], [sflag:$0x1] =	stream.indirect_vreg.gather [hbm4b:s13+s2], $0x80, v3, vm0, $0xb8;
	[tilespmem:$0x10080] =	vst v63  }
0x16f: {  	_ =	swait.ge [sflag:s26], $0x2000  }
0x170: {  	[sflag:s26] =	ssyncset.done $0x0  }
0x171: {  	[sflag:s26] =	ssyncadd.s32 $0xFFFFE000  }
0x172: {  	_ =	swait.ge [sflag:s26], $0x2000  }
0x173: {  	[sflag:s26] =	ssyncset.done $0x0  }
0x174: {  	[sflag:s26] =	ssyncadd.s32 $0xFFFFE000  }
0x175: {  	_ =	swait.ge [sflag:s26], $0x2000  }
0x176: {  	[sflag:s26] =	ssyncset.done $0x0  }
0x177: {  	[sflag:s26] =	ssyncadd.s32 $0xFFFFE000  }
0x178: {  	_ =	swait.ge [sflag:s26], $0x2000  }
0x179: {  	[sflag:s26] =	ssyncset.done $0x0  }
0x17a: {  	[sflag:s26] =	ssyncadd.s32 $0xFFFFE000  }
0x17b: {  	_ =	swait.ge [sflag:s26], $0x2000  }
0x17c: {  	[sflag:s26] =	ssyncset.done $0x0  }
0x17d: {  	[sflag:s26] =	ssyncadd.s32 $0xFFFFE000  }
0x17e: {  	_ =	swait.ge [sflag:s26], $0x2000  }
0x17f: {  	[sflag:s26] =	ssyncset.done $0x0  }
0x180: {  	[sflag:s26] =	ssyncadd.s32 $0xFFFFE000  }
0x181: {  	_ =	swait.ge [sflag:s26], $0x2000  }
0x182: {  	[sflag:s26] =	ssyncset.done $0x0  }
0x183: {  	[sflag:s26] =	ssyncadd.s32 $0xFFFFE000  }
0x184: {  	s28 =	sor.u32 s3, s28;
	_ =	swait.ge [sflag:s26], $0x2000  }
0x185: {  	p1 =	por p0, p0;
	s28 =	sshll.u32 s28, $0x7;
	[sflag:s26] =	ssyncset.done $0x0  }
.Ltmp0:
0x186: {  	s28 =	sadd.s32 s5, s28;
	[sflag:s26] =	ssyncadd.s32 $0xFFFFE000;
	(pc) =	sbr.rel @p1 .LBB2_2-.Ltmp0, $4  }
0x187: {  	[hbm4b:s28+s2] =	stream.linear.scatter [tilespmem:s16], [sflag:$0x2], $0x10000, $0x38;
	[tilespmem:$0x10080] =	vst v63  }
0x188: {  	_ =	swait.ge [sflag:s15], $0x10000  }
0x189: {  	[sflag:s15] =	ssyncset.done $0x0  }
0x18a: {  	p0 =	por $0x0, $0x0;
	s28 =	simm.s32 $0x40;
	[sflag:s15] =	ssyncadd.s32 $0xFFFF0000  }
0x18b: {  	s0 =	rddreg [dreg:$0x5]  }
0x18c: {  	s28 =	rddreg [dreg:$0x4];
	s0 =	sadd.s32 $0x1, s0  }
0x18d: {  	p0 =	sne.s32 s0, s28  }
.Ltmp1:
0x18e: {  	_ = 	snop;
	(pc) =	sbr.rel @p0 .LBB2_1-.Ltmp1, $1  }
0x18f: {  	_ =	sdelay $0x3  }
0x190: {  	_ =	sfence.sel $0x180000  }
0x191: {  	[bflag:$0x0] =	sbarrier.arrive $0xFFFF  }
0x192: {  	_ =	strace $0x90000047  }
0x193: {  	s0 =	stileid.u32;
	[bflag:$0x2] =	sbarrier.arrive $0xFFFF  }
0x194: {  	p0 =	sne.s32 s0, $0x0;
	s0 =	rddreg [dreg:$0x2]  }
0x195: {  	s0 =	sadd.s32 @!p0 $0x100000, s0  }
0x196: {  	[sflag:s0] =	ssyncadd.tile.s32 @!p0 $0x1;
	_ =	shalt  }
.Lfunc_end2:
_tile_overlayer_lowered:
.L_overlay_start_2:
0x197: {  	(tag) =	ssettag $0x2  }
0x198: {  	s0 =	rddreg [dreg:$0x0];
	s2 =	stileid.u32  }
0x199: {  	s1 =	rddreg [dreg:$0x1];
	p0 =	sne.s32 s2, $0x0  }
0x19a: {  	s3 =	rddreg [dreg:$0x2];
	[bflag:$0x3] =	sbarrier.arrive $0xFFFF;
	s2 =	simm.s32 @!p0 $0x1C02  }
0x19b: {  	[timem:s3], [sflag:s2] =	dma.local @!p0 [hbm:s0], s1  }
0x19c: {  	s0 =	simm.s32 @!p0 $0x2  }
0x19d: {  	_ =	swait.ge @!p0 [sflag:s0], s1  }
0x19e: {  	s1 =	ssub.s32 @!p0 $0x0, s1;
	[sflag:s0] =	ssyncset.done @!p0 $0x0  }
0x19f: {  	[sflag:s0] =	ssyncadd.s32 @!p0 s1  }
0x1a0: {  	[bflag:$0x3] =	sbarrier.arrive $0xFFFF  }
0x1a1: {  	_ =	shalt  }

</sc_bundles>
